<compile_context>
chip_gen: v7x
topology: tpu7x:2x2x1
jax: 0.10.2.dev20260603
libtpu: 0.0.44.dev20260713+nightly
codegen_flags: <defaults>
</compile_context>

<pallas_src>
import functools

import jax
import jax.numpy as jnp
from jax import lax
from jax.experimental import pallas as pl
from jax.experimental.pallas import tpu as pltpu
from jax.experimental.pallas import tpu_sc as plsc

D = 128
NW = 32
CHUNK = 128
NBUF = 5
LAG = 3


def _make_gather(bat, hist):
    nch = hist
    mesh = plsc.VectorSubcoreMesh(core_axis_name="c", subcore_axis_name="s")

    @functools.partial(
        pl.kernel,
        out_type=jax.ShapeDtypeStruct((hist, bat, D), jnp.float32),
        mesh=mesh,
        scratch_types=[
            pltpu.VMEM((nch, CHUNK), jnp.int32),
            pltpu.VMEM((NBUF, CHUNK, D), jnp.float32),
        ] + [pltpu.SemaphoreType.DMA] * (2 * NBUF),
    )
    def gather(table_hbm, idx_hbm, out_hbm, idx_v, bufs, *sems):
        gsem = sems[:NBUF]
        wsem = sems[NBUF:]
        wid = lax.axis_index("s") * 2 + lax.axis_index("c")
        col = wid * CHUNK
        pltpu.sync_copy(idx_hbm.at[wid], idx_v)

        def issue_gather(j, b):
            pltpu.async_copy(table_hbm.at[idx_v.at[j]], bufs.at[b], gsem[b])

        def wait_gather(j, b):
            pltpu.make_async_copy(
                table_hbm.at[idx_v.at[j]], bufs.at[b], gsem[b]
            ).wait()

        def issue_write(j, b):
            pltpu.async_copy(
                bufs.at[b], out_hbm.at[j, pl.ds(col, CHUNK)], wsem[b]
            )

        def wait_write(j, b):
            pltpu.make_async_copy(
                bufs.at[b], out_hbm.at[j, pl.ds(col, CHUNK)], wsem[b]
            ).wait()

        for b in range(LAG):
            issue_gather(b, b)
        for j in range(NBUF - LAG):
            issue_gather(j + LAG, (j + LAG) % NBUF)
            wait_gather(j, j % NBUF)
            issue_write(j, j % NBUF)

        @pl.loop(NBUF - LAG, nch - LAG, step=NBUF)
        def _grp(g):
            for b in range(NBUF):
                j = g + b
                bj = (NBUF - LAG + b) % NBUF
                wait_write(j + LAG - NBUF, b)
                issue_gather(j + LAG, b)
                wait_gather(j, bj)
                issue_write(j, bj)

        for j in range(nch - LAG, nch):
            wait_gather(j, j % NBUF)
            issue_write(j, j % NBUF)

        for j in range(nch - NBUF, nch):
            wait_write(j, j % NBUF)

    return gather


def kernel(x, word_embed):
    bat, hist = x.shape
    assert bat % (NW * 8) == 0 and bat // NW == CHUNK
    assert (hist - NBUF) % NBUF == 0 and LAG < NBUF
    idx3 = jnp.transpose(x, (1, 0)).reshape(hist, NW, CHUNK)
    idx3 = jnp.transpose(idx3, (1, 0, 2)).astype(jnp.int32)
    out = _make_gather(bat, hist)(word_embed, idx3)
    return jnp.transpose(out, (1, 0, 2))

# --- scband reference (transcript-rebuilt; emitter-appended) ---
"""Pipeline reference for scband-embedding-60438779789601 (READ-ONLY COPY).

The authoritative reference and input builder live on the scoring server;
editing this copy changes nothing except your own understanding.
"""

import jax, jax.numpy as jnp
import numpy as np

VOCAB = 100000
WORD_DIM = 128
BATCH = 4096
HIST = 50


def setup_inputs(seed: int = 0) -> dict:
    key = jax.random.key(seed)
    k_idx, k_tab = jax.random.split(key)
    x = jax.random.randint(k_idx, (BATCH, HIST), 0, VOCAB, dtype=jnp.int64)
    word_embed = jax.random.normal(k_tab, (VOCAB, WORD_DIM), dtype=jnp.float32)
    # padding_idx=0: row 0 is zero, mirroring nn.Embedding(padding_idx=0)
    word_embed = word_embed.at[0].set(0.0)
    return {"x": x, "word_embed": word_embed}


def reference(x, word_embed):
    # nn.Embedding lookup (padding row already zeroed in the table)
    we = jnp.take(word_embed, x, axis=0)  # [B, L, word_dim]
    # torch.cat([word_embed], dim=-1) is an identity concat
    feature_embed = jnp.concatenate([we], axis=-1)
    return feature_embed

if __name__ == "__main__":
    import jax
    _d = setup_inputs()
    print(jax.jit(kernel)(*tuple(_d.values())))

</pallas_src>

<mosaic_0001>
#map = affine_map<(d0, d1) -> (0, 0)>
#map1 = affine_map<(d0, d1) -> (0, 0, 0)>
module attributes {stable_mosaic.version = 14 : i64} {
  func.func @gather(%arg0: i32, %arg1: i32, %arg2: memref<100000x128xf32, #tpu.memory_space<hbm>>, %arg3: memref<32x50x128xi32, #tpu.memory_space<hbm>>, %arg4: memref<50x4096x128xf32, #tpu.memory_space<hbm>>, %arg5: memref<50x128xi32, #tpu.memory_space<vmem>>, %arg6: memref<5x128x128xf32, #tpu.memory_space<vmem>>, %arg7: memref<!tpu.dma_semaphore, #tpu.memory_space<semaphore_mem>>, %arg8: memref<!tpu.dma_semaphore, #tpu.memory_space<semaphore_mem>>, %arg9: memref<!tpu.dma_semaphore, #tpu.memory_space<semaphore_mem>>, %arg10: memref<!tpu.dma_semaphore, #tpu.memory_space<semaphore_mem>>, %arg11: memref<!tpu.dma_semaphore, #tpu.memory_space<semaphore_mem>>, %arg12: memref<!tpu.dma_semaphore, #tpu.memory_space<semaphore_mem>>, %arg13: memref<!tpu.dma_semaphore, #tpu.memory_space<semaphore_mem>>, %arg14: memref<!tpu.dma_semaphore, #tpu.memory_space<semaphore_mem>>, %arg15: memref<!tpu.dma_semaphore, #tpu.memory_space<semaphore_mem>>, %arg16: memref<!tpu.dma_semaphore, #tpu.memory_space<semaphore_mem>>) attributes {dimension_semantics = [#tpu.dimension_semantics<core_parallel>, #tpu.dimension_semantics<subcore_parallel>], iteration_bounds = array<i64: 2, 16>, scalar_prefetch = 0 : i64, scratch_operands = 12 : i64, tpu.core_type = #tpu.core_type<sc_vector_subcore>, window_params = [{transform_indices = #map}, {transform_indices = #map1}, {transform_indices = #map1}]} {
    %mul3A = arith.constant 2 : i32
    %mul3A_0 = arith.muli %arg1, %mul3A : i32
    %add3A = arith.addi %mul3A_0, %arg0 : i32
    %mul3A_1 = arith.constant 128 : i32
    %mul3A_2 = arith.muli %add3A, %mul3A_1 : i32
    "tpu.region"() ({
      %run_scoped3A = tpu.sem_alloc : memref<!tpu.dma_semaphore, #tpu.memory_space<semaphore_mem>>
      %dma_start3A_285 = arith.constant 0 : i32
      %dma_start3A_286 = arith.constant 0 : i32
      %dma_start3A_287 = tpu.memref_slice %arg3[%add3A, %dma_start3A_285, %dma_start3A_286] : memref<32x50x128xi32, #tpu.memory_space<hbm>> -> memref<1x50x128xi32, #tpu.memory_space<hbm>>
      %dma_start3A_288 = tpu.memref_squeeze %dma_start3A_287 : memref<1x50x128xi32, #tpu.memory_space<hbm>> -> memref<50x128xi32, #tpu.memory_space<hbm>>
      %dma_start3A_289 = arith.constant 0 : i32
      %dma_start3A_290 = arith.constant 0 : i32
      %dma_start3A_291 = tpu.memref_slice %arg3[%add3A, %dma_start3A_289, %dma_start3A_290] : memref<32x50x128xi32, #tpu.memory_space<hbm>> -> memref<1x50x128xi32, #tpu.memory_space<hbm>>
      %dma_start3A_292 = tpu.memref_squeeze %dma_start3A_291 : memref<1x50x128xi32, #tpu.memory_space<hbm>> -> memref<50x128xi32, #tpu.memory_space<hbm>>
      tpu.enqueue_dma source(%dma_start3A_292 : memref<50x128xi32, #tpu.memory_space<hbm>>) target(%arg5 : memref<50x128xi32, #tpu.memory_space<vmem>>) target_semaphore(%run_scoped3A : memref<!tpu.dma_semaphore, #tpu.memory_space<semaphore_mem>>)
      %dma_wait3A_293 = arith.constant 0 : i32
      %dma_wait3A_294 = arith.constant 0 : i32
      %dma_wait3A_295 = tpu.memref_slice %arg3[%add3A, %dma_wait3A_293, %dma_wait3A_294] : memref<32x50x128xi32, #tpu.memory_space<hbm>> -> memref<1x50x128xi32, #tpu.memory_space<hbm>>
      %dma_wait3A_296 = tpu.memref_squeeze %dma_wait3A_295 : memref<1x50x128xi32, #tpu.memory_space<hbm>> -> memref<50x128xi32, #tpu.memory_space<hbm>>
      %dma_wait3A_297 = arith.constant 0 : i32
      %dma_wait3A_298 = arith.constant 0 : i32
      %dma_wait3A_299 = tpu.memref_slice %arg3[%add3A, %dma_wait3A_297, %dma_wait3A_298] : memref<32x50x128xi32, #tpu.memory_space<hbm>> -> memref<1x50x128xi32, #tpu.memory_space<hbm>>
      %dma_wait3A_300 = tpu.memref_squeeze %dma_wait3A_299 : memref<1x50x128xi32, #tpu.memory_space<hbm>> -> memref<50x128xi32, #tpu.memory_space<hbm>>
      tpu.wait_dma2 semaphore(%run_scoped3A : memref<!tpu.dma_semaphore, #tpu.memory_space<semaphore_mem>>) src(%dma_wait3A_300 : memref<50x128xi32, #tpu.memory_space<hbm>>) dst(%arg5 : memref<50x128xi32, #tpu.memory_space<vmem>>)
      tpu.yield
    }) : () -> ()
    %dma_start3A = arith.constant 0 : i32
    %dma_start3A_3 = arith.constant 0 : i32
    %dma_start3A_4 = arith.constant 0 : i32
    %dma_start3A_5 = arith.constant 0 : i32
    %dma_start3A_6 = tpu.memref_slice %arg6[%dma_start3A_3, %dma_start3A_4, %dma_start3A_5] : memref<5x128x128xf32, #tpu.memory_space<vmem>> -> memref<1x128x128xf32, #tpu.memory_space<vmem>>
    %dma_start3A_7 = tpu.memref_squeeze %dma_start3A_6 : memref<1x128x128xf32, #tpu.memory_space<vmem>> -> memref<128x128xf32, #tpu.memory_space<vmem>>
    %dma_start3A_8 = arith.constant 0 : i32
    %dma_start3A_9 = tpu.memref_slice %arg5[%dma_start3A, %dma_start3A_8] : memref<50x128xi32, #tpu.memory_space<vmem>> -> memref<1x128xi32, #tpu.memory_space<vmem>>
    %dma_start3A_10 = tpu.memref_squeeze %dma_start3A_9 : memref<1x128xi32, #tpu.memory_space<vmem>> -> memref<128xi32, #tpu.memory_space<vmem>>
    %dma_start3A_11 = arith.constant 0 : i32
    %dma_start3A_12 = arith.constant 0 : i32
    %dma_start3A_13 = tpu.memref_slice %arg2[%dma_start3A_11, %dma_start3A_12] : memref<100000x128xf32, #tpu.memory_space<hbm>> -> memref<100000x128xf32, #tpu.memory_space<hbm>>
    tpu.enqueue_indirect_dma source(%dma_start3A_13 : memref<100000x128xf32, #tpu.memory_space<hbm>>) target(%dma_start3A_7 : memref<128x128xf32, #tpu.memory_space<vmem>>) offsets(%dma_start3A_10 : memref<128xi32, #tpu.memory_space<vmem>>) semaphore(%arg7 : memref<!tpu.dma_semaphore, #tpu.memory_space<semaphore_mem>>)
    %dma_start3A_14 = arith.constant 1 : i32
    %dma_start3A_15 = arith.constant 1 : i32
    %dma_start3A_16 = arith.constant 0 : i32
    %dma_start3A_17 = arith.constant 0 : i32
    %dma_start3A_18 = tpu.memref_slice %arg6[%dma_start3A_15, %dma_start3A_16, %dma_start3A_17] : memref<5x128x128xf32, #tpu.memory_space<vmem>> -> memref<1x128x128xf32, #tpu.memory_space<vmem>>
    %dma_start3A_19 = tpu.memref_squeeze %dma_start3A_18 : memref<1x128x128xf32, #tpu.memory_space<vmem>> -> memref<128x128xf32, #tpu.memory_space<vmem>>
    %dma_start3A_20 = arith.constant 0 : i32
    %dma_start3A_21 = tpu.memref_slice %arg5[%dma_start3A_14, %dma_start3A_20] : memref<50x128xi32, #tpu.memory_space<vmem>> -> memref<1x128xi32, #tpu.memory_space<vmem>>
    %dma_start3A_22 = tpu.memref_squeeze %dma_start3A_21 : memref<1x128xi32, #tpu.memory_space<vmem>> -> memref<128xi32, #tpu.memory_space<vmem>>
    %dma_start3A_23 = arith.constant 0 : i32
    %dma_start3A_24 = arith.constant 0 : i32
    %dma_start3A_25 = tpu.memref_slice %arg2[%dma_start3A_23, %dma_start3A_24] : memref<100000x128xf32, #tpu.memory_space<hbm>> -> memref<100000x128xf32, #tpu.memory_space<hbm>>
    tpu.enqueue_indirect_dma source(%dma_start3A_25 : memref<100000x128xf32, #tpu.memory_space<hbm>>) target(%dma_start3A_19 : memref<128x128xf32, #tpu.memory_space<vmem>>) offsets(%dma_start3A_22 : memref<128xi32, #tpu.memory_space<vmem>>) semaphore(%arg8 : memref<!tpu.dma_semaphore, #tpu.memory_space<semaphore_mem>>)
    %dma_start3A_26 = arith.constant 2 : i32
    %dma_start3A_27 = arith.constant 2 : i32
    %dma_start3A_28 = arith.constant 0 : i32
    %dma_start3A_29 = arith.constant 0 : i32
    %dma_start3A_30 = tpu.memref_slice %arg6[%dma_start3A_27, %dma_start3A_28, %dma_start3A_29] : memref<5x128x128xf32, #tpu.memory_space<vmem>> -> memref<1x128x128xf32, #tpu.memory_space<vmem>>
    %dma_start3A_31 = tpu.memref_squeeze %dma_start3A_30 : memref<1x128x128xf32, #tpu.memory_space<vmem>> -> memref<128x128xf32, #tpu.memory_space<vmem>>
    %dma_start3A_32 = arith.constant 0 : i32
    %dma_start3A_33 = tpu.memref_slice %arg5[%dma_start3A_26, %dma_start3A_32] : memref<50x128xi32, #tpu.memory_space<vmem>> -> memref<1x128xi32, #tpu.memory_space<vmem>>
    %dma_start3A_34 = tpu.memref_squeeze %dma_start3A_33 : memref<1x128xi32, #tpu.memory_space<vmem>> -> memref<128xi32, #tpu.memory_space<vmem>>
    %dma_start3A_35 = arith.constant 0 : i32
    %dma_start3A_36 = arith.constant 0 : i32
    %dma_start3A_37 = tpu.memref_slice %arg2[%dma_start3A_35, %dma_start3A_36] : memref<100000x128xf32, #tpu.memory_space<hbm>> -> memref<100000x128xf32, #tpu.memory_space<hbm>>
    tpu.enqueue_indirect_dma source(%dma_start3A_37 : memref<100000x128xf32, #tpu.memory_space<hbm>>) target(%dma_start3A_31 : memref<128x128xf32, #tpu.memory_space<vmem>>) offsets(%dma_start3A_34 : memref<128xi32, #tpu.memory_space<vmem>>) semaphore(%arg9 : memref<!tpu.dma_semaphore, #tpu.memory_space<semaphore_mem>>)
    %dma_start3A_38 = arith.constant 3 : i32
    %dma_start3A_39 = arith.constant 3 : i32
    %dma_start3A_40 = arith.constant 0 : i32
    %dma_start3A_41 = arith.constant 0 : i32
    %dma_start3A_42 = tpu.memref_slice %arg6[%dma_start3A_39, %dma_start3A_40, %dma_start3A_41] : memref<5x128x128xf32, #tpu.memory_space<vmem>> -> memref<1x128x128xf32, #tpu.memory_space<vmem>>
    %dma_start3A_43 = tpu.memref_squeeze %dma_start3A_42 : memref<1x128x128xf32, #tpu.memory_space<vmem>> -> memref<128x128xf32, #tpu.memory_space<vmem>>
    %dma_start3A_44 = arith.constant 0 : i32
    %dma_start3A_45 = tpu.memref_slice %arg5[%dma_start3A_38, %dma_start3A_44] : memref<50x128xi32, #tpu.memory_space<vmem>> -> memref<1x128xi32, #tpu.memory_space<vmem>>
    %dma_start3A_46 = tpu.memref_squeeze %dma_start3A_45 : memref<1x128xi32, #tpu.memory_space<vmem>> -> memref<128xi32, #tpu.memory_space<vmem>>
    %dma_start3A_47 = arith.constant 0 : i32
    %dma_start3A_48 = arith.constant 0 : i32
    %dma_start3A_49 = tpu.memref_slice %arg2[%dma_start3A_47, %dma_start3A_48] : memref<100000x128xf32, #tpu.memory_space<hbm>> -> memref<100000x128xf32, #tpu.memory_space<hbm>>
    tpu.enqueue_indirect_dma source(%dma_start3A_49 : memref<100000x128xf32, #tpu.memory_space<hbm>>) target(%dma_start3A_43 : memref<128x128xf32, #tpu.memory_space<vmem>>) offsets(%dma_start3A_46 : memref<128xi32, #tpu.memory_space<vmem>>) semaphore(%arg10 : memref<!tpu.dma_semaphore, #tpu.memory_space<semaphore_mem>>)
    %dma_wait3A = arith.constant 0 : i32
    %dma_wait3A_50 = arith.constant 0 : i32
    %dma_wait3A_51 = arith.constant 0 : i32
    %dma_wait3A_52 = arith.constant 0 : i32
    %dma_wait3A_53 = tpu.memref_slice %arg6[%dma_wait3A_50, %dma_wait3A_51, %dma_wait3A_52] : memref<5x128x128xf32, #tpu.memory_space<vmem>> -> memref<1x128x128xf32, #tpu.memory_space<vmem>>
    %dma_wait3A_54 = tpu.memref_squeeze %dma_wait3A_53 : memref<1x128x128xf32, #tpu.memory_space<vmem>> -> memref<128x128xf32, #tpu.memory_space<vmem>>
    %dma_wait3A_55 = arith.constant 0 : i32
    %dma_wait3A_56 = tpu.memref_slice %arg5[%dma_wait3A, %dma_wait3A_55] : memref<50x128xi32, #tpu.memory_space<vmem>> -> memref<1x128xi32, #tpu.memory_space<vmem>>
    %dma_wait3A_57 = tpu.memref_squeeze %dma_wait3A_56 : memref<1x128xi32, #tpu.memory_space<vmem>> -> memref<128xi32, #tpu.memory_space<vmem>>
    %dma_wait3A_58 = arith.constant 0 : i32
    %dma_wait3A_59 = arith.constant 0 : i32
    %dma_wait3A_60 = tpu.memref_slice %arg2[%dma_wait3A_58, %dma_wait3A_59] : memref<100000x128xf32, #tpu.memory_space<hbm>> -> memref<100000x128xf32, #tpu.memory_space<hbm>>
    tpu.wait_indirect_dma semaphore(%arg7 : memref<!tpu.dma_semaphore, #tpu.memory_space<semaphore_mem>>) src(%dma_wait3A_60 : memref<100000x128xf32, #tpu.memory_space<hbm>>) dst(%dma_wait3A_54 : memref<128x128xf32, #tpu.memory_space<vmem>>)
    %dma_start3A_61 = arith.constant 0 : i32
    %dma_start3A_62 = arith.constant 0 : i32
    %dma_start3A_63 = arith.constant 0 : i32
    %dma_start3A_64 = arith.constant 0 : i32
    %dma_start3A_65 = tpu.memref_slice %arg6[%dma_start3A_61, %dma_start3A_63, %dma_start3A_64] : memref<5x128x128xf32, #tpu.memory_space<vmem>> -> memref<1x128x128xf32, #tpu.memory_space<vmem>>
    %dma_start3A_66 = tpu.memref_squeeze %dma_start3A_65 : memref<1x128x128xf32, #tpu.memory_space<vmem>> -> memref<128x128xf32, #tpu.memory_space<vmem>>
    %dma_start3A_67 = arith.constant 0 : i32
    %dma_start3A_68 = tpu.memref_slice %arg4[%dma_start3A_62, %mul3A_2, %dma_start3A_67] : memref<50x4096x128xf32, #tpu.memory_space<hbm>> -> memref<1x128x128xf32, #tpu.memory_space<hbm>>
    %dma_start3A_69 = tpu.memref_squeeze %dma_start3A_68 : memref<1x128x128xf32, #tpu.memory_space<hbm>> -> memref<128x128xf32, #tpu.memory_space<hbm>>
    %dma_start3A_70 = arith.constant 0 : i32
    %dma_start3A_71 = tpu.memref_slice %arg4[%dma_start3A_62, %mul3A_2, %dma_start3A_70] : memref<50x4096x128xf32, #tpu.memory_space<hbm>> -> memref<1x128x128xf32, #tpu.memory_space<hbm>>
    %dma_start3A_72 = tpu.memref_squeeze %dma_start3A_71 : memref<1x128x128xf32, #tpu.memory_space<hbm>> -> memref<128x128xf32, #tpu.memory_space<hbm>>
    %dma_start3A_73 = arith.constant 0 : i32
    %dma_start3A_74 = arith.constant 0 : i32
    %dma_start3A_75 = tpu.memref_slice %arg6[%dma_start3A_61, %dma_start3A_73, %dma_start3A_74] : memref<5x128x128xf32, #tpu.memory_space<vmem>> -> memref<1x128x128xf32, #tpu.memory_space<vmem>>
    %dma_start3A_76 = tpu.memref_squeeze %dma_start3A_75 : memref<1x128x128xf32, #tpu.memory_space<vmem>> -> memref<128x128xf32, #tpu.memory_space<vmem>>
    tpu.enqueue_dma source(%dma_start3A_76 : memref<128x128xf32, #tpu.memory_space<vmem>>) target(%dma_start3A_72 : memref<128x128xf32, #tpu.memory_space<hbm>>) target_semaphore(%arg12 : memref<!tpu.dma_semaphore, #tpu.memory_space<semaphore_mem>>)
    %dma_start3A_77 = arith.constant 4 : i32
    %dma_start3A_78 = arith.constant 4 : i32
    %dma_start3A_79 = arith.constant 0 : i32
    %dma_start3A_80 = arith.constant 0 : i32
    %dma_start3A_81 = tpu.memref_slice %arg6[%dma_start3A_78, %dma_start3A_79, %dma_start3A_80] : memref<5x128x128xf32, #tpu.memory_space<vmem>> -> memref<1x128x128xf32, #tpu.memory_space<vmem>>
    %dma_start3A_82 = tpu.memref_squeeze %dma_start3A_81 : memref<1x128x128xf32, #tpu.memory_space<vmem>> -> memref<128x128xf32, #tpu.memory_space<vmem>>
    %dma_start3A_83 = arith.constant 0 : i32
    %dma_start3A_84 = tpu.memref_slice %arg5[%dma_start3A_77, %dma_start3A_83] : memref<50x128xi32, #tpu.memory_space<vmem>> -> memref<1x128xi32, #tpu.memory_space<vmem>>
    %dma_start3A_85 = tpu.memref_squeeze %dma_start3A_84 : memref<1x128xi32, #tpu.memory_space<vmem>> -> memref<128xi32, #tpu.memory_space<vmem>>
    %dma_start3A_86 = arith.constant 0 : i32
    %dma_start3A_87 = arith.constant 0 : i32
    %dma_start3A_88 = tpu.memref_slice %arg2[%dma_start3A_86, %dma_start3A_87] : memref<100000x128xf32, #tpu.memory_space<hbm>> -> memref<100000x128xf32, #tpu.memory_space<hbm>>
    tpu.enqueue_indirect_dma source(%dma_start3A_88 : memref<100000x128xf32, #tpu.memory_space<hbm>>) target(%dma_start3A_82 : memref<128x128xf32, #tpu.memory_space<vmem>>) offsets(%dma_start3A_85 : memref<128xi32, #tpu.memory_space<vmem>>) semaphore(%arg11 : memref<!tpu.dma_semaphore, #tpu.memory_space<semaphore_mem>>)
    %dma_wait3A_89 = arith.constant 1 : i32
    %dma_wait3A_90 = arith.constant 1 : i32
    %dma_wait3A_91 = arith.constant 0 : i32
    %dma_wait3A_92 = arith.constant 0 : i32
    %dma_wait3A_93 = tpu.memref_slice %arg6[%dma_wait3A_90, %dma_wait3A_91, %dma_wait3A_92] : memref<5x128x128xf32, #tpu.memory_space<vmem>> -> memref<1x128x128xf32, #tpu.memory_space<vmem>>
    %dma_wait3A_94 = tpu.memref_squeeze %dma_wait3A_93 : memref<1x128x128xf32, #tpu.memory_space<vmem>> -> memref<128x128xf32, #tpu.memory_space<vmem>>
    %dma_wait3A_95 = arith.constant 0 : i32
    %dma_wait3A_96 = tpu.memref_slice %arg5[%dma_wait3A_89, %dma_wait3A_95] : memref<50x128xi32, #tpu.memory_space<vmem>> -> memref<1x128xi32, #tpu.memory_space<vmem>>
    %dma_wait3A_97 = tpu.memref_squeeze %dma_wait3A_96 : memref<1x128xi32, #tpu.memory_space<vmem>> -> memref<128xi32, #tpu.memory_space<vmem>>
    %dma_wait3A_98 = arith.constant 0 : i32
    %dma_wait3A_99 = arith.constant 0 : i32
    %dma_wait3A_100 = tpu.memref_slice %arg2[%dma_wait3A_98, %dma_wait3A_99] : memref<100000x128xf32, #tpu.memory_space<hbm>> -> memref<100000x128xf32, #tpu.memory_space<hbm>>
    tpu.wait_indirect_dma semaphore(%arg8 : memref<!tpu.dma_semaphore, #tpu.memory_space<semaphore_mem>>) src(%dma_wait3A_100 : memref<100000x128xf32, #tpu.memory_space<hbm>>) dst(%dma_wait3A_94 : memref<128x128xf32, #tpu.memory_space<vmem>>)
    %dma_start3A_101 = arith.constant 1 : i32
    %dma_start3A_102 = arith.constant 1 : i32
    %dma_start3A_103 = arith.constant 0 : i32
    %dma_start3A_104 = arith.constant 0 : i32
    %dma_start3A_105 = tpu.memref_slice %arg6[%dma_start3A_101, %dma_start3A_103, %dma_start3A_104] : memref<5x128x128xf32, #tpu.memory_space<vmem>> -> memref<1x128x128xf32, #tpu.memory_space<vmem>>
    %dma_start3A_106 = tpu.memref_squeeze %dma_start3A_105 : memref<1x128x128xf32, #tpu.memory_space<vmem>> -> memref<128x128xf32, #tpu.memory_space<vmem>>
    %dma_start3A_107 = arith.constant 0 : i32
    %dma_start3A_108 = tpu.memref_slice %arg4[%dma_start3A_102, %mul3A_2, %dma_start3A_107] : memref<50x4096x128xf32, #tpu.memory_space<hbm>> -> memref<1x128x128xf32, #tpu.memory_space<hbm>>
    %dma_start3A_109 = tpu.memref_squeeze %dma_start3A_108 : memref<1x128x128xf32, #tpu.memory_space<hbm>> -> memref<128x128xf32, #tpu.memory_space<hbm>>
    %dma_start3A_110 = arith.constant 0 : i32
    %dma_start3A_111 = tpu.memref_slice %arg4[%dma_start3A_102, %mul3A_2, %dma_start3A_110] : memref<50x4096x128xf32, #tpu.memory_space<hbm>> -> memref<1x128x128xf32, #tpu.memory_space<hbm>>
    %dma_start3A_112 = tpu.memref_squeeze %dma_start3A_111 : memref<1x128x128xf32, #tpu.memory_space<hbm>> -> memref<128x128xf32, #tpu.memory_space<hbm>>
    %dma_start3A_113 = arith.constant 0 : i32
    %dma_start3A_114 = arith.constant 0 : i32
    %dma_start3A_115 = tpu.memref_slice %arg6[%dma_start3A_101, %dma_start3A_113, %dma_start3A_114] : memref<5x128x128xf32, #tpu.memory_space<vmem>> -> memref<1x128x128xf32, #tpu.memory_space<vmem>>
    %dma_start3A_116 = tpu.memref_squeeze %dma_start3A_115 : memref<1x128x128xf32, #tpu.memory_space<vmem>> -> memref<128x128xf32, #tpu.memory_space<vmem>>
    tpu.enqueue_dma source(%dma_start3A_116 : memref<128x128xf32, #tpu.memory_space<vmem>>) target(%dma_start3A_112 : memref<128x128xf32, #tpu.memory_space<hbm>>) target_semaphore(%arg13 : memref<!tpu.dma_semaphore, #tpu.memory_space<semaphore_mem>>)
    %scan3A = arith.constant 0 : i32
    %scan3A_117 = arith.constant 9 : i32
    %scan3A_118 = arith.addi %scan3A, %scan3A_117 : i32
    %scan3A_119 = arith.constant 1 : i32
    scf.for %scan3A_285 = %scan3A to %scan3A_118 step %scan3A_119  : i32 {
      %mul3A_286 = arith.constant 5 : i32
      %mul3A_287 = arith.muli %scan3A_285, %mul3A_286 : i32
      %add3A_288 = arith.constant 2 : i32
      %add3A_289 = arith.addi %add3A_288, %mul3A_287 : i32
      %add3A_290 = arith.constant 0 : i32
      %add3A_291 = arith.addi %add3A_289, %add3A_290 : i32
      %add3A_292 = arith.constant 3 : i32
      %add3A_293 = arith.addi %add3A_291, %add3A_292 : i32
      %sub3A = arith.constant 5 : i32
      %sub3A_294 = arith.subi %add3A_293, %sub3A : i32
      %dma_wait3A_295 = arith.constant 0 : i32
      %dma_wait3A_296 = arith.constant 0 : i32
      %dma_wait3A_297 = arith.constant 0 : i32
      %dma_wait3A_298 = tpu.memref_slice %arg6[%dma_wait3A_295, %dma_wait3A_296, %dma_wait3A_297] : memref<5x128x128xf32, #tpu.memory_space<vmem>> -> memref<1x128x128xf32, #tpu.memory_space<vmem>>
      %dma_wait3A_299 = tpu.memref_squeeze %dma_wait3A_298 : memref<1x128x128xf32, #tpu.memory_space<vmem>> -> memref<128x128xf32, #tpu.memory_space<vmem>>
      %dma_wait3A_300 = arith.constant 0 : i32
      %dma_wait3A_301 = tpu.memref_slice %arg4[%sub3A_294, %mul3A_2, %dma_wait3A_300] : memref<50x4096x128xf32, #tpu.memory_space<hbm>> -> memref<1x128x128xf32, #tpu.memory_space<hbm>>
      %dma_wait3A_302 = tpu.memref_squeeze %dma_wait3A_301 : memref<1x128x128xf32, #tpu.memory_space<hbm>> -> memref<128x128xf32, #tpu.memory_space<hbm>>
      %dma_wait3A_303 = arith.constant 0 : i32
      %dma_wait3A_304 = tpu.memref_slice %arg4[%sub3A_294, %mul3A_2, %dma_wait3A_303] : memref<50x4096x128xf32, #tpu.memory_space<hbm>> -> memref<1x128x128xf32, #tpu.memory_space<hbm>>
      %dma_wait3A_305 = tpu.memref_squeeze %dma_wait3A_304 : memref<1x128x128xf32, #tpu.memory_space<hbm>> -> memref<128x128xf32, #tpu.memory_space<hbm>>
      %dma_wait3A_306 = arith.constant 0 : i32
      %dma_wait3A_307 = arith.constant 0 : i32
      %dma_wait3A_308 = tpu.memref_slice %arg6[%dma_wait3A_295, %dma_wait3A_306, %dma_wait3A_307] : memref<5x128x128xf32, #tpu.memory_space<vmem>> -> memref<1x128x128xf32, #tpu.memory_space<vmem>>
      %dma_wait3A_309 = tpu.memref_squeeze %dma_wait3A_308 : memref<1x128x128xf32, #tpu.memory_space<vmem>> -> memref<128x128xf32, #tpu.memory_space<vmem>>
      tpu.wait_dma2 semaphore(%arg12 : memref<!tpu.dma_semaphore, #tpu.memory_space<semaphore_mem>>) src(%dma_wait3A_309 : memref<128x128xf32, #tpu.memory_space<vmem>>) dst(%dma_wait3A_305 : memref<128x128xf32, #tpu.memory_space<hbm>>)
      %add3A_310 = arith.constant 3 : i32
      %add3A_311 = arith.addi %add3A_291, %add3A_310 : i32
      %dma_start3A_312 = arith.constant 0 : i32
      %dma_start3A_313 = arith.constant 0 : i32
      %dma_start3A_314 = arith.constant 0 : i32
      %dma_start3A_315 = tpu.memref_slice %arg6[%dma_start3A_312, %dma_start3A_313, %dma_start3A_314] : memref<5x128x128xf32, #tpu.memory_space<vmem>> -> memref<1x128x128xf32, #tpu.memory_space<vmem>>
      %dma_start3A_316 = tpu.memref_squeeze %dma_start3A_315 : memref<1x128x128xf32, #tpu.memory_space<vmem>> -> memref<128x128xf32, #tpu.memory_space<vmem>>
      %dma_start3A_317 = arith.constant 0 : i32
      %dma_start3A_318 = tpu.memref_slice %arg5[%add3A_311, %dma_start3A_317] : memref<50x128xi32, #tpu.memory_space<vmem>> -> memref<1x128xi32, #tpu.memory_space<vmem>>
      %dma_start3A_319 = tpu.memref_squeeze %dma_start3A_318 : memref<1x128xi32, #tpu.memory_space<vmem>> -> memref<128xi32, #tpu.memory_space<vmem>>
      %dma_start3A_320 = arith.constant 0 : i32
      %dma_start3A_321 = arith.constant 0 : i32
      %dma_start3A_322 = tpu.memref_slice %arg2[%dma_start3A_320, %dma_start3A_321] : memref<100000x128xf32, #tpu.memory_space<hbm>> -> memref<100000x128xf32, #tpu.memory_space<hbm>>
      tpu.enqueue_indirect_dma source(%dma_start3A_322 : memref<100000x128xf32, #tpu.memory_space<hbm>>) target(%dma_start3A_316 : memref<128x128xf32, #tpu.memory_space<vmem>>) offsets(%dma_start3A_319 : memref<128xi32, #tpu.memory_space<vmem>>) semaphore(%arg7 : memref<!tpu.dma_semaphore, #tpu.memory_space<semaphore_mem>>)
      %dma_wait3A_323 = arith.constant 2 : i32
      %dma_wait3A_324 = arith.constant 0 : i32
      %dma_wait3A_325 = arith.constant 0 : i32
      %dma_wait3A_326 = tpu.memref_slice %arg6[%dma_wait3A_323, %dma_wait3A_324, %dma_wait3A_325] : memref<5x128x128xf32, #tpu.memory_space<vmem>> -> memref<1x128x128xf32, #tpu.memory_space<vmem>>
      %dma_wait3A_327 = tpu.memref_squeeze %dma_wait3A_326 : memref<1x128x128xf32, #tpu.memory_space<vmem>> -> memref<128x128xf32, #tpu.memory_space<vmem>>
      %dma_wait3A_328 = arith.constant 0 : i32
      %dma_wait3A_329 = tpu.memref_slice %arg5[%add3A_291, %dma_wait3A_328] : memref<50x128xi32, #tpu.memory_space<vmem>> -> memref<1x128xi32, #tpu.memory_space<vmem>>
      %dma_wait3A_330 = tpu.memref_squeeze %dma_wait3A_329 : memref<1x128xi32, #tpu.memory_space<vmem>> -> memref<128xi32, #tpu.memory_space<vmem>>
      %dma_wait3A_331 = arith.constant 0 : i32
      %dma_wait3A_332 = arith.constant 0 : i32
      %dma_wait3A_333 = tpu.memref_slice %arg2[%dma_wait3A_331, %dma_wait3A_332] : memref<100000x128xf32, #tpu.memory_space<hbm>> -> memref<100000x128xf32, #tpu.memory_space<hbm>>
      tpu.wait_indirect_dma semaphore(%arg9 : memref<!tpu.dma_semaphore, #tpu.memory_space<semaphore_mem>>) src(%dma_wait3A_333 : memref<100000x128xf32, #tpu.memory_space<hbm>>) dst(%dma_wait3A_327 : memref<128x128xf32, #tpu.memory_space<vmem>>)
      %dma_start3A_334 = arith.constant 2 : i32
      %dma_start3A_335 = arith.constant 0 : i32
      %dma_start3A_336 = arith.constant 0 : i32
      %dma_start3A_337 = tpu.memref_slice %arg6[%dma_start3A_334, %dma_start3A_335, %dma_start3A_336] : memref<5x128x128xf32, #tpu.memory_space<vmem>> -> memref<1x128x128xf32, #tpu.memory_space<vmem>>
      %dma_start3A_338 = tpu.memref_squeeze %dma_start3A_337 : memref<1x128x128xf32, #tpu.memory_space<vmem>> -> memref<128x128xf32, #tpu.memory_space<vmem>>
      %dma_start3A_339 = arith.constant 0 : i32
      %dma_start3A_340 = tpu.memref_slice %arg4[%add3A_291, %mul3A_2, %dma_start3A_339] : memref<50x4096x128xf32, #tpu.memory_space<hbm>> -> memref<1x128x128xf32, #tpu.memory_space<hbm>>
      %dma_start3A_341 = tpu.memref_squeeze %dma_start3A_340 : memref<1x128x128xf32, #tpu.memory_space<hbm>> -> memref<128x128xf32, #tpu.memory_space<hbm>>
      %dma_start3A_342 = arith.constant 0 : i32
      %dma_start3A_343 = tpu.memref_slice %arg4[%add3A_291, %mul3A_2, %dma_start3A_342] : memref<50x4096x128xf32, #tpu.memory_space<hbm>> -> memref<1x128x128xf32, #tpu.memory_space<hbm>>
      %dma_start3A_344 = tpu.memref_squeeze %dma_start3A_343 : memref<1x128x128xf32, #tpu.memory_space<hbm>> -> memref<128x128xf32, #tpu.memory_space<hbm>>
      %dma_start3A_345 = arith.constant 0 : i32
      %dma_start3A_346 = arith.constant 0 : i32
      %dma_start3A_347 = tpu.memref_slice %arg6[%dma_start3A_334, %dma_start3A_345, %dma_start3A_346] : memref<5x128x128xf32, #tpu.memory_space<vmem>> -> memref<1x128x128xf32, #tpu.memory_space<vmem>>
      %dma_start3A_348 = tpu.memref_squeeze %dma_start3A_347 : memref<1x128x128xf32, #tpu.memory_space<vmem>> -> memref<128x128xf32, #tpu.memory_space<vmem>>
      tpu.enqueue_dma source(%dma_start3A_348 : memref<128x128xf32, #tpu.memory_space<vmem>>) target(%dma_start3A_344 : memref<128x128xf32, #tpu.memory_space<hbm>>) target_semaphore(%arg14 : memref<!tpu.dma_semaphore, #tpu.memory_space<semaphore_mem>>)
      %add3A_349 = arith.constant 1 : i32
      %add3A_350 = arith.addi %add3A_289, %add3A_349 : i32
      %add3A_351 = arith.constant 3 : i32
      %add3A_352 = arith.addi %add3A_350, %add3A_351 : i32
      %sub3A_353 = arith.constant 5 : i32
      %sub3A_354 = arith.subi %add3A_352, %sub3A_353 : i32
      %dma_wait3A_355 = arith.constant 1 : i32
      %dma_wait3A_356 = arith.constant 0 : i32
      %dma_wait3A_357 = arith.constant 0 : i32
      %dma_wait3A_358 = tpu.memref_slice %arg6[%dma_wait3A_355, %dma_wait3A_356, %dma_wait3A_357] : memref<5x128x128xf32, #tpu.memory_space<vmem>> -> memref<1x128x128xf32, #tpu.memory_space<vmem>>
      %dma_wait3A_359 = tpu.memref_squeeze %dma_wait3A_358 : memref<1x128x128xf32, #tpu.memory_space<vmem>> -> memref<128x128xf32, #tpu.memory_space<vmem>>
      %dma_wait3A_360 = arith.constant 0 : i32
      %dma_wait3A_361 = tpu.memref_slice %arg4[%sub3A_354, %mul3A_2, %dma_wait3A_360] : memref<50x4096x128xf32, #tpu.memory_space<hbm>> -> memref<1x128x128xf32, #tpu.memory_space<hbm>>
      %dma_wait3A_362 = tpu.memref_squeeze %dma_wait3A_361 : memref<1x128x128xf32, #tpu.memory_space<hbm>> -> memref<128x128xf32, #tpu.memory_space<hbm>>
      %dma_wait3A_363 = arith.constant 0 : i32
      %dma_wait3A_364 = tpu.memref_slice %arg4[%sub3A_354, %mul3A_2, %dma_wait3A_363] : memref<50x4096x128xf32, #tpu.memory_space<hbm>> -> memref<1x128x128xf32, #tpu.memory_space<hbm>>
      %dma_wait3A_365 = tpu.memref_squeeze %dma_wait3A_364 : memref<1x128x128xf32, #tpu.memory_space<hbm>> -> memref<128x128xf32, #tpu.memory_space<hbm>>
      %dma_wait3A_366 = arith.constant 0 : i32
      %dma_wait3A_367 = arith.constant 0 : i32
      %dma_wait3A_368 = tpu.memref_slice %arg6[%dma_wait3A_355, %dma_wait3A_366, %dma_wait3A_367] : memref<5x128x128xf32, #tpu.memory_space<vmem>> -> memref<1x128x128xf32, #tpu.memory_space<vmem>>
      %dma_wait3A_369 = tpu.memref_squeeze %dma_wait3A_368 : memref<1x128x128xf32, #tpu.memory_space<vmem>> -> memref<128x128xf32, #tpu.memory_space<vmem>>
      tpu.wait_dma2 semaphore(%arg13 : memref<!tpu.dma_semaphore, #tpu.memory_space<semaphore_mem>>) src(%dma_wait3A_369 : memref<128x128xf32, #tpu.memory_space<vmem>>) dst(%dma_wait3A_365 : memref<128x128xf32, #tpu.memory_space<hbm>>)
      %add3A_370 = arith.constant 3 : i32
      %add3A_371 = arith.addi %add3A_350, %add3A_370 : i32
      %dma_start3A_372 = arith.constant 1 : i32
      %dma_start3A_373 = arith.constant 0 : i32
      %dma_start3A_374 = arith.constant 0 : i32
      %dma_start3A_375 = tpu.memref_slice %arg6[%dma_start3A_372, %dma_start3A_373, %dma_start3A_374] : memref<5x128x128xf32, #tpu.memory_space<vmem>> -> memref<1x128x128xf32, #tpu.memory_space<vmem>>
      %dma_start3A_376 = tpu.memref_squeeze %dma_start3A_375 : memref<1x128x128xf32, #tpu.memory_space<vmem>> -> memref<128x128xf32, #tpu.memory_space<vmem>>
      %dma_start3A_377 = arith.constant 0 : i32
      %dma_start3A_378 = tpu.memref_slice %arg5[%add3A_371, %dma_start3A_377] : memref<50x128xi32, #tpu.memory_space<vmem>> -> memref<1x128xi32, #tpu.memory_space<vmem>>
      %dma_start3A_379 = tpu.memref_squeeze %dma_start3A_378 : memref<1x128xi32, #tpu.memory_space<vmem>> -> memref<128xi32, #tpu.memory_space<vmem>>
      %dma_start3A_380 = arith.constant 0 : i32
      %dma_start3A_381 = arith.constant 0 : i32
      %dma_start3A_382 = tpu.memref_slice %arg2[%dma_start3A_380, %dma_start3A_381] : memref<100000x128xf32, #tpu.memory_space<hbm>> -> memref<100000x128xf32, #tpu.memory_space<hbm>>
      tpu.enqueue_indirect_dma source(%dma_start3A_382 : memref<100000x128xf32, #tpu.memory_space<hbm>>) target(%dma_start3A_376 : memref<128x128xf32, #tpu.memory_space<vmem>>) offsets(%dma_start3A_379 : memref<128xi32, #tpu.memory_space<vmem>>) semaphore(%arg8 : memref<!tpu.dma_semaphore, #tpu.memory_space<semaphore_mem>>)
      %dma_wait3A_383 = arith.constant 3 : i32
      %dma_wait3A_384 = arith.constant 0 : i32
      %dma_wait3A_385 = arith.constant 0 : i32
      %dma_wait3A_386 = tpu.memref_slice %arg6[%dma_wait3A_383, %dma_wait3A_384, %dma_wait3A_385] : memref<5x128x128xf32, #tpu.memory_space<vmem>> -> memref<1x128x128xf32, #tpu.memory_space<vmem>>
      %dma_wait3A_387 = tpu.memref_squeeze %dma_wait3A_386 : memref<1x128x128xf32, #tpu.memory_space<vmem>> -> memref<128x128xf32, #tpu.memory_space<vmem>>
      %dma_wait3A_388 = arith.constant 0 : i32
      %dma_wait3A_389 = tpu.memref_slice %arg5[%add3A_350, %dma_wait3A_388] : memref<50x128xi32, #tpu.memory_space<vmem>> -> memref<1x128xi32, #tpu.memory_space<vmem>>
      %dma_wait3A_390 = tpu.memref_squeeze %dma_wait3A_389 : memref<1x128xi32, #tpu.memory_space<vmem>> -> memref<128xi32, #tpu.memory_space<vmem>>
      %dma_wait3A_391 = arith.constant 0 : i32
      %dma_wait3A_392 = arith.constant 0 : i32
      %dma_wait3A_393 = tpu.memref_slice %arg2[%dma_wait3A_391, %dma_wait3A_392] : memref<100000x128xf32, #tpu.memory_space<hbm>> -> memref<100000x128xf32, #tpu.memory_space<hbm>>
      tpu.wait_indirect_dma semaphore(%arg10 : memref<!tpu.dma_semaphore, #tpu.memory_space<semaphore_mem>>) src(%dma_wait3A_393 : memref<100000x128xf32, #tpu.memory_space<hbm>>) dst(%dma_wait3A_387 : memref<128x128xf32, #tpu.memory_space<vmem>>)
      %dma_start3A_394 = arith.constant 3 : i32
      %dma_start3A_395 = arith.constant 0 : i32
      %dma_start3A_396 = arith.constant 0 : i32
      %dma_start3A_397 = tpu.memref_slice %arg6[%dma_start3A_394, %dma_start3A_395, %dma_start3A_396] : memref<5x128x128xf32, #tpu.memory_space<vmem>> -> memref<1x128x128xf32, #tpu.memory_space<vmem>>
      %dma_start3A_398 = tpu.memref_squeeze %dma_start3A_397 : memref<1x128x128xf32, #tpu.memory_space<vmem>> -> memref<128x128xf32, #tpu.memory_space<vmem>>
      %dma_start3A_399 = arith.constant 0 : i32
      %dma_start3A_400 = tpu.memref_slice %arg4[%add3A_350, %mul3A_2, %dma_start3A_399] : memref<50x4096x128xf32, #tpu.memory_space<hbm>> -> memref<1x128x128xf32, #tpu.memory_space<hbm>>
      %dma_start3A_401 = tpu.memref_squeeze %dma_start3A_400 : memref<1x128x128xf32, #tpu.memory_space<hbm>> -> memref<128x128xf32, #tpu.memory_space<hbm>>
      %dma_start3A_402 = arith.constant 0 : i32
      %dma_start3A_403 = tpu.memref_slice %arg4[%add3A_350, %mul3A_2, %dma_start3A_402] : memref<50x4096x128xf32, #tpu.memory_space<hbm>> -> memref<1x128x128xf32, #tpu.memory_space<hbm>>
      %dma_start3A_404 = tpu.memref_squeeze %dma_start3A_403 : memref<1x128x128xf32, #tpu.memory_space<hbm>> -> memref<128x128xf32, #tpu.memory_space<hbm>>
      %dma_start3A_405 = arith.constant 0 : i32
      %dma_start3A_406 = arith.constant 0 : i32
      %dma_start3A_407 = tpu.memref_slice %arg6[%dma_start3A_394, %dma_start3A_405, %dma_start3A_406] : memref<5x128x128xf32, #tpu.memory_space<vmem>> -> memref<1x128x128xf32, #tpu.memory_space<vmem>>
      %dma_start3A_408 = tpu.memref_squeeze %dma_start3A_407 : memref<1x128x128xf32, #tpu.memory_space<vmem>> -> memref<128x128xf32, #tpu.memory_space<vmem>>
      tpu.enqueue_dma source(%dma_start3A_408 : memref<128x128xf32, #tpu.memory_space<vmem>>) target(%dma_start3A_404 : memref<128x128xf32, #tpu.memory_space<hbm>>) target_semaphore(%arg15 : memref<!tpu.dma_semaphore, #tpu.memory_space<semaphore_mem>>)
      %add3A_409 = arith.constant 2 : i32
      %add3A_410 = arith.addi %add3A_289, %add3A_409 : i32
      %add3A_411 = arith.constant 3 : i32
      %add3A_412 = arith.addi %add3A_410, %add3A_411 : i32
      %sub3A_413 = arith.constant 5 : i32
      %sub3A_414 = arith.subi %add3A_412, %sub3A_413 : i32
      %dma_wait3A_415 = arith.constant 2 : i32
      %dma_wait3A_416 = arith.constant 0 : i32
      %dma_wait3A_417 = arith.constant 0 : i32
      %dma_wait3A_418 = tpu.memref_slice %arg6[%dma_wait3A_415, %dma_wait3A_416, %dma_wait3A_417] : memref<5x128x128xf32, #tpu.memory_space<vmem>> -> memref<1x128x128xf32, #tpu.memory_space<vmem>>
      %dma_wait3A_419 = tpu.memref_squeeze %dma_wait3A_418 : memref<1x128x128xf32, #tpu.memory_space<vmem>> -> memref<128x128xf32, #tpu.memory_space<vmem>>
      %dma_wait3A_420 = arith.constant 0 : i32
      %dma_wait3A_421 = tpu.memref_slice %arg4[%sub3A_414, %mul3A_2, %dma_wait3A_420] : memref<50x4096x128xf32, #tpu.memory_space<hbm>> -> memref<1x128x128xf32, #tpu.memory_space<hbm>>
      %dma_wait3A_422 = tpu.memref_squeeze %dma_wait3A_421 : memref<1x128x128xf32, #tpu.memory_space<hbm>> -> memref<128x128xf32, #tpu.memory_space<hbm>>
      %dma_wait3A_423 = arith.constant 0 : i32
      %dma_wait3A_424 = tpu.memref_slice %arg4[%sub3A_414, %mul3A_2, %dma_wait3A_423] : memref<50x4096x128xf32, #tpu.memory_space<hbm>> -> memref<1x128x128xf32, #tpu.memory_space<hbm>>
      %dma_wait3A_425 = tpu.memref_squeeze %dma_wait3A_424 : memref<1x128x128xf32, #tpu.memory_space<hbm>> -> memref<128x128xf32, #tpu.memory_space<hbm>>
      %dma_wait3A_426 = arith.constant 0 : i32
      %dma_wait3A_427 = arith.constant 0 : i32
      %dma_wait3A_428 = tpu.memref_slice %arg6[%dma_wait3A_415, %dma_wait3A_426, %dma_wait3A_427] : memref<5x128x128xf32, #tpu.memory_space<vmem>> -> memref<1x128x128xf32, #tpu.memory_space<vmem>>
      %dma_wait3A_429 = tpu.memref_squeeze %dma_wait3A_428 : memref<1x128x128xf32, #tpu.memory_space<vmem>> -> memref<128x128xf32, #tpu.memory_space<vmem>>
      tpu.wait_dma2 semaphore(%arg14 : memref<!tpu.dma_semaphore, #tpu.memory_space<semaphore_mem>>) src(%dma_wait3A_429 : memref<128x128xf32, #tpu.memory_space<vmem>>) dst(%dma_wait3A_425 : memref<128x128xf32, #tpu.memory_space<hbm>>)
      %add3A_430 = arith.constant 3 : i32
      %add3A_431 = arith.addi %add3A_410, %add3A_430 : i32
      %dma_start3A_432 = arith.constant 2 : i32
      %dma_start3A_433 = arith.constant 0 : i32
      %dma_start3A_434 = arith.constant 0 : i32
      %dma_start3A_435 = tpu.memref_slice %arg6[%dma_start3A_432, %dma_start3A_433, %dma_start3A_434] : memref<5x128x128xf32, #tpu.memory_space<vmem>> -> memref<1x128x128xf32, #tpu.memory_space<vmem>>
      %dma_start3A_436 = tpu.memref_squeeze %dma_start3A_435 : memref<1x128x128xf32, #tpu.memory_space<vmem>> -> memref<128x128xf32, #tpu.memory_space<vmem>>
      %dma_start3A_437 = arith.constant 0 : i32
      %dma_start3A_438 = tpu.memref_slice %arg5[%add3A_431, %dma_start3A_437] : memref<50x128xi32, #tpu.memory_space<vmem>> -> memref<1x128xi32, #tpu.memory_space<vmem>>
      %dma_start3A_439 = tpu.memref_squeeze %dma_start3A_438 : memref<1x128xi32, #tpu.memory_space<vmem>> -> memref<128xi32, #tpu.memory_space<vmem>>
      %dma_start3A_440 = arith.constant 0 : i32
      %dma_start3A_441 = arith.constant 0 : i32
      %dma_start3A_442 = tpu.memref_slice %arg2[%dma_start3A_440, %dma_start3A_441] : memref<100000x128xf32, #tpu.memory_space<hbm>> -> memref<100000x128xf32, #tpu.memory_space<hbm>>
      tpu.enqueue_indirect_dma source(%dma_start3A_442 : memref<100000x128xf32, #tpu.memory_space<hbm>>) target(%dma_start3A_436 : memref<128x128xf32, #tpu.memory_space<vmem>>) offsets(%dma_start3A_439 : memref<128xi32, #tpu.memory_space<vmem>>) semaphore(%arg9 : memref<!tpu.dma_semaphore, #tpu.memory_space<semaphore_mem>>)
      %dma_wait3A_443 = arith.constant 4 : i32
      %dma_wait3A_444 = arith.constant 0 : i32
      %dma_wait3A_445 = arith.constant 0 : i32
      %dma_wait3A_446 = tpu.memref_slice %arg6[%dma_wait3A_443, %dma_wait3A_444, %dma_wait3A_445] : memref<5x128x128xf32, #tpu.memory_space<vmem>> -> memref<1x128x128xf32, #tpu.memory_space<vmem>>
      %dma_wait3A_447 = tpu.memref_squeeze %dma_wait3A_446 : memref<1x128x128xf32, #tpu.memory_space<vmem>> -> memref<128x128xf32, #tpu.memory_space<vmem>>
      %dma_wait3A_448 = arith.constant 0 : i32
      %dma_wait3A_449 = tpu.memref_slice %arg5[%add3A_410, %dma_wait3A_448] : memref<50x128xi32, #tpu.memory_space<vmem>> -> memref<1x128xi32, #tpu.memory_space<vmem>>
      %dma_wait3A_450 = tpu.memref_squeeze %dma_wait3A_449 : memref<1x128xi32, #tpu.memory_space<vmem>> -> memref<128xi32, #tpu.memory_space<vmem>>
      %dma_wait3A_451 = arith.constant 0 : i32
      %dma_wait3A_452 = arith.constant 0 : i32
      %dma_wait3A_453 = tpu.memref_slice %arg2[%dma_wait3A_451, %dma_wait3A_452] : memref<100000x128xf32, #tpu.memory_space<hbm>> -> memref<100000x128xf32, #tpu.memory_space<hbm>>
      tpu.wait_indirect_dma semaphore(%arg11 : memref<!tpu.dma_semaphore, #tpu.memory_space<semaphore_mem>>) src(%dma_wait3A_453 : memref<100000x128xf32, #tpu.memory_space<hbm>>) dst(%dma_wait3A_447 : memref<128x128xf32, #tpu.memory_space<vmem>>)
      %dma_start3A_454 = arith.constant 4 : i32
      %dma_start3A_455 = arith.constant 0 : i32
      %dma_start3A_456 = arith.constant 0 : i32
      %dma_start3A_457 = tpu.memref_slice %arg6[%dma_start3A_454, %dma_start3A_455, %dma_start3A_456] : memref<5x128x128xf32, #tpu.memory_space<vmem>> -> memref<1x128x128xf32, #tpu.memory_space<vmem>>
      %dma_start3A_458 = tpu.memref_squeeze %dma_start3A_457 : memref<1x128x128xf32, #tpu.memory_space<vmem>> -> memref<128x128xf32, #tpu.memory_space<vmem>>
      %dma_start3A_459 = arith.constant 0 : i32
      %dma_start3A_460 = tpu.memref_slice %arg4[%add3A_410, %mul3A_2, %dma_start3A_459] : memref<50x4096x128xf32, #tpu.memory_space<hbm>> -> memref<1x128x128xf32, #tpu.memory_space<hbm>>
      %dma_start3A_461 = tpu.memref_squeeze %dma_start3A_460 : memref<1x128x128xf32, #tpu.memory_space<hbm>> -> memref<128x128xf32, #tpu.memory_space<hbm>>
      %dma_start3A_462 = arith.constant 0 : i32
      %dma_start3A_463 = tpu.memref_slice %arg4[%add3A_410, %mul3A_2, %dma_start3A_462] : memref<50x4096x128xf32, #tpu.memory_space<hbm>> -> memref<1x128x128xf32, #tpu.memory_space<hbm>>
      %dma_start3A_464 = tpu.memref_squeeze %dma_start3A_463 : memref<1x128x128xf32, #tpu.memory_space<hbm>> -> memref<128x128xf32, #tpu.memory_space<hbm>>
      %dma_start3A_465 = arith.constant 0 : i32
      %dma_start3A_466 = arith.constant 0 : i32
      %dma_start3A_467 = tpu.memref_slice %arg6[%dma_start3A_454, %dma_start3A_465, %dma_start3A_466] : memref<5x128x128xf32, #tpu.memory_space<vmem>> -> memref<1x128x128xf32, #tpu.memory_space<vmem>>
      %dma_start3A_468 = tpu.memref_squeeze %dma_start3A_467 : memref<1x128x128xf32, #tpu.memory_space<vmem>> -> memref<128x128xf32, #tpu.memory_space<vmem>>
      tpu.enqueue_dma source(%dma_start3A_468 : memref<128x128xf32, #tpu.memory_space<vmem>>) target(%dma_start3A_464 : memref<128x128xf32, #tpu.memory_space<hbm>>) target_semaphore(%arg16 : memref<!tpu.dma_semaphore, #tpu.memory_space<semaphore_mem>>)
      %add3A_469 = arith.constant 3 : i32
      %add3A_470 = arith.addi %add3A_289, %add3A_469 : i32
      %add3A_471 = arith.constant 3 : i32
      %add3A_472 = arith.addi %add3A_470, %add3A_471 : i32
      %sub3A_473 = arith.constant 5 : i32
      %sub3A_474 = arith.subi %add3A_472, %sub3A_473 : i32
      %dma_wait3A_475 = arith.constant 3 : i32
      %dma_wait3A_476 = arith.constant 0 : i32
      %dma_wait3A_477 = arith.constant 0 : i32
      %dma_wait3A_478 = tpu.memref_slice %arg6[%dma_wait3A_475, %dma_wait3A_476, %dma_wait3A_477] : memref<5x128x128xf32, #tpu.memory_space<vmem>> -> memref<1x128x128xf32, #tpu.memory_space<vmem>>
      %dma_wait3A_479 = tpu.memref_squeeze %dma_wait3A_478 : memref<1x128x128xf32, #tpu.memory_space<vmem>> -> memref<128x128xf32, #tpu.memory_space<vmem>>
      %dma_wait3A_480 = arith.constant 0 : i32
      %dma_wait3A_481 = tpu.memref_slice %arg4[%sub3A_474, %mul3A_2, %dma_wait3A_480] : memref<50x4096x128xf32, #tpu.memory_space<hbm>> -> memref<1x128x128xf32, #tpu.memory_space<hbm>>
      %dma_wait3A_482 = tpu.memref_squeeze %dma_wait3A_481 : memref<1x128x128xf32, #tpu.memory_space<hbm>> -> memref<128x128xf32, #tpu.memory_space<hbm>>
      %dma_wait3A_483 = arith.constant 0 : i32
      %dma_wait3A_484 = tpu.memref_slice %arg4[%sub3A_474, %mul3A_2, %dma_wait3A_483] : memref<50x4096x128xf32, #tpu.memory_space<hbm>> -> memref<1x128x128xf32, #tpu.memory_space<hbm>>
      %dma_wait3A_485 = tpu.memref_squeeze %dma_wait3A_484 : memref<1x128x128xf32, #tpu.memory_space<hbm>> -> memref<128x128xf32, #tpu.memory_space<hbm>>
      %dma_wait3A_486 = arith.constant 0 : i32
      %dma_wait3A_487 = arith.constant 0 : i32
      %dma_wait3A_488 = tpu.memref_slice %arg6[%dma_wait3A_475, %dma_wait3A_486, %dma_wait3A_487] : memref<5x128x128xf32, #tpu.memory_space<vmem>> -> memref<1x128x128xf32, #tpu.memory_space<vmem>>
      %dma_wait3A_489 = tpu.memref_squeeze %dma_wait3A_488 : memref<1x128x128xf32, #tpu.memory_space<vmem>> -> memref<128x128xf32, #tpu.memory_space<vmem>>
      tpu.wait_dma2 semaphore(%arg15 : memref<!tpu.dma_semaphore, #tpu.memory_space<semaphore_mem>>) src(%dma_wait3A_489 : memref<128x128xf32, #tpu.memory_space<vmem>>) dst(%dma_wait3A_485 : memref<128x128xf32, #tpu.memory_space<hbm>>)
      %add3A_490 = arith.constant 3 : i32
      %add3A_491 = arith.addi %add3A_470, %add3A_490 : i32
      %dma_start3A_492 = arith.constant 3 : i32
      %dma_start3A_493 = arith.constant 0 : i32
      %dma_start3A_494 = arith.constant 0 : i32
      %dma_start3A_495 = tpu.memref_slice %arg6[%dma_start3A_492, %dma_start3A_493, %dma_start3A_494] : memref<5x128x128xf32, #tpu.memory_space<vmem>> -> memref<1x128x128xf32, #tpu.memory_space<vmem>>
      %dma_start3A_496 = tpu.memref_squeeze %dma_start3A_495 : memref<1x128x128xf32, #tpu.memory_space<vmem>> -> memref<128x128xf32, #tpu.memory_space<vmem>>
      %dma_start3A_497 = arith.constant 0 : i32
      %dma_start3A_498 = tpu.memref_slice %arg5[%add3A_491, %dma_start3A_497] : memref<50x128xi32, #tpu.memory_space<vmem>> -> memref<1x128xi32, #tpu.memory_space<vmem>>
      %dma_start3A_499 = tpu.memref_squeeze %dma_start3A_498 : memref<1x128xi32, #tpu.memory_space<vmem>> -> memref<128xi32, #tpu.memory_space<vmem>>
      %dma_start3A_500 = arith.constant 0 : i32
      %dma_start3A_501 = arith.constant 0 : i32
      %dma_start3A_502 = tpu.memref_slice %arg2[%dma_start3A_500, %dma_start3A_501] : memref<100000x128xf32, #tpu.memory_space<hbm>> -> memref<100000x128xf32, #tpu.memory_space<hbm>>
      tpu.enqueue_indirect_dma source(%dma_start3A_502 : memref<100000x128xf32, #tpu.memory_space<hbm>>) target(%dma_start3A_496 : memref<128x128xf32, #tpu.memory_space<vmem>>) offsets(%dma_start3A_499 : memref<128xi32, #tpu.memory_space<vmem>>) semaphore(%arg10 : memref<!tpu.dma_semaphore, #tpu.memory_space<semaphore_mem>>)
      %dma_wait3A_503 = arith.constant 0 : i32
      %dma_wait3A_504 = arith.constant 0 : i32
      %dma_wait3A_505 = arith.constant 0 : i32
      %dma_wait3A_506 = tpu.memref_slice %arg6[%dma_wait3A_503, %dma_wait3A_504, %dma_wait3A_505] : memref<5x128x128xf32, #tpu.memory_space<vmem>> -> memref<1x128x128xf32, #tpu.memory_space<vmem>>
      %dma_wait3A_507 = tpu.memref_squeeze %dma_wait3A_506 : memref<1x128x128xf32, #tpu.memory_space<vmem>> -> memref<128x128xf32, #tpu.memory_space<vmem>>
      %dma_wait3A_508 = arith.constant 0 : i32
      %dma_wait3A_509 = tpu.memref_slice %arg5[%add3A_470, %dma_wait3A_508] : memref<50x128xi32, #tpu.memory_space<vmem>> -> memref<1x128xi32, #tpu.memory_space<vmem>>
      %dma_wait3A_510 = tpu.memref_squeeze %dma_wait3A_509 : memref<1x128xi32, #tpu.memory_space<vmem>> -> memref<128xi32, #tpu.memory_space<vmem>>
      %dma_wait3A_511 = arith.constant 0 : i32
      %dma_wait3A_512 = arith.constant 0 : i32
      %dma_wait3A_513 = tpu.memref_slice %arg2[%dma_wait3A_511, %dma_wait3A_512] : memref<100000x128xf32, #tpu.memory_space<hbm>> -> memref<100000x128xf32, #tpu.memory_space<hbm>>
      tpu.wait_indirect_dma semaphore(%arg7 : memref<!tpu.dma_semaphore, #tpu.memory_space<semaphore_mem>>) src(%dma_wait3A_513 : memref<100000x128xf32, #tpu.memory_space<hbm>>) dst(%dma_wait3A_507 : memref<128x128xf32, #tpu.memory_space<vmem>>)
      %dma_start3A_514 = arith.constant 0 : i32
      %dma_start3A_515 = arith.constant 0 : i32
      %dma_start3A_516 = arith.constant 0 : i32
      %dma_start3A_517 = tpu.memref_slice %arg6[%dma_start3A_514, %dma_start3A_515, %dma_start3A_516] : memref<5x128x128xf32, #tpu.memory_space<vmem>> -> memref<1x128x128xf32, #tpu.memory_space<vmem>>
      %dma_start3A_518 = tpu.memref_squeeze %dma_start3A_517 : memref<1x128x128xf32, #tpu.memory_space<vmem>> -> memref<128x128xf32, #tpu.memory_space<vmem>>
      %dma_start3A_519 = arith.constant 0 : i32
      %dma_start3A_520 = tpu.memref_slice %arg4[%add3A_470, %mul3A_2, %dma_start3A_519] : memref<50x4096x128xf32, #tpu.memory_space<hbm>> -> memref<1x128x128xf32, #tpu.memory_space<hbm>>
      %dma_start3A_521 = tpu.memref_squeeze %dma_start3A_520 : memref<1x128x128xf32, #tpu.memory_space<hbm>> -> memref<128x128xf32, #tpu.memory_space<hbm>>
      %dma_start3A_522 = arith.constant 0 : i32
      %dma_start3A_523 = tpu.memref_slice %arg4[%add3A_470, %mul3A_2, %dma_start3A_522] : memref<50x4096x128xf32, #tpu.memory_space<hbm>> -> memref<1x128x128xf32, #tpu.memory_space<hbm>>
      %dma_start3A_524 = tpu.memref_squeeze %dma_start3A_523 : memref<1x128x128xf32, #tpu.memory_space<hbm>> -> memref<128x128xf32, #tpu.memory_space<hbm>>
      %dma_start3A_525 = arith.constant 0 : i32
      %dma_start3A_526 = arith.constant 0 : i32
      %dma_start3A_527 = tpu.memref_slice %arg6[%dma_start3A_514, %dma_start3A_525, %dma_start3A_526] : memref<5x128x128xf32, #tpu.memory_space<vmem>> -> memref<1x128x128xf32, #tpu.memory_space<vmem>>
      %dma_start3A_528 = tpu.memref_squeeze %dma_start3A_527 : memref<1x128x128xf32, #tpu.memory_space<vmem>> -> memref<128x128xf32, #tpu.memory_space<vmem>>
      tpu.enqueue_dma source(%dma_start3A_528 : memref<128x128xf32, #tpu.memory_space<vmem>>) target(%dma_start3A_524 : memref<128x128xf32, #tpu.memory_space<hbm>>) target_semaphore(%arg12 : memref<!tpu.dma_semaphore, #tpu.memory_space<semaphore_mem>>)
      %add3A_529 = arith.constant 4 : i32
      %add3A_530 = arith.addi %add3A_289, %add3A_529 : i32
      %add3A_531 = arith.constant 3 : i32
      %add3A_532 = arith.addi %add3A_530, %add3A_531 : i32
      %sub3A_533 = arith.constant 5 : i32
      %sub3A_534 = arith.subi %add3A_532, %sub3A_533 : i32
      %dma_wait3A_535 = arith.constant 4 : i32
      %dma_wait3A_536 = arith.constant 0 : i32
      %dma_wait3A_537 = arith.constant 0 : i32
      %dma_wait3A_538 = tpu.memref_slice %arg6[%dma_wait3A_535, %dma_wait3A_536, %dma_wait3A_537] : memref<5x128x128xf32, #tpu.memory_space<vmem>> -> memref<1x128x128xf32, #tpu.memory_space<vmem>>
      %dma_wait3A_539 = tpu.memref_squeeze %dma_wait3A_538 : memref<1x128x128xf32, #tpu.memory_space<vmem>> -> memref<128x128xf32, #tpu.memory_space<vmem>>
      %dma_wait3A_540 = arith.constant 0 : i32
      %dma_wait3A_541 = tpu.memref_slice %arg4[%sub3A_534, %mul3A_2, %dma_wait3A_540] : memref<50x4096x128xf32, #tpu.memory_space<hbm>> -> memref<1x128x128xf32, #tpu.memory_space<hbm>>
      %dma_wait3A_542 = tpu.memref_squeeze %dma_wait3A_541 : memref<1x128x128xf32, #tpu.memory_space<hbm>> -> memref<128x128xf32, #tpu.memory_space<hbm>>
      %dma_wait3A_543 = arith.constant 0 : i32
      %dma_wait3A_544 = tpu.memref_slice %arg4[%sub3A_534, %mul3A_2, %dma_wait3A_543] : memref<50x4096x128xf32, #tpu.memory_space<hbm>> -> memref<1x128x128xf32, #tpu.memory_space<hbm>>
      %dma_wait3A_545 = tpu.memref_squeeze %dma_wait3A_544 : memref<1x128x128xf32, #tpu.memory_space<hbm>> -> memref<128x128xf32, #tpu.memory_space<hbm>>
      %dma_wait3A_546 = arith.constant 0 : i32
      %dma_wait3A_547 = arith.constant 0 : i32
      %dma_wait3A_548 = tpu.memref_slice %arg6[%dma_wait3A_535, %dma_wait3A_546, %dma_wait3A_547] : memref<5x128x128xf32, #tpu.memory_space<vmem>> -> memref<1x128x128xf32, #tpu.memory_space<vmem>>
      %dma_wait3A_549 = tpu.memref_squeeze %dma_wait3A_548 : memref<1x128x128xf32, #tpu.memory_space<vmem>> -> memref<128x128xf32, #tpu.memory_space<vmem>>
      tpu.wait_dma2 semaphore(%arg16 : memref<!tpu.dma_semaphore, #tpu.memory_space<semaphore_mem>>) src(%dma_wait3A_549 : memref<128x128xf32, #tpu.memory_space<vmem>>) dst(%dma_wait3A_545 : memref<128x128xf32, #tpu.memory_space<hbm>>)
      %add3A_550 = arith.constant 3 : i32
      %add3A_551 = arith.addi %add3A_530, %add3A_550 : i32
      %dma_start3A_552 = arith.constant 4 : i32
      %dma_start3A_553 = arith.constant 0 : i32
      %dma_start3A_554 = arith.constant 0 : i32
      %dma_start3A_555 = tpu.memref_slice %arg6[%dma_start3A_552, %dma_start3A_553, %dma_start3A_554] : memref<5x128x128xf32, #tpu.memory_space<vmem>> -> memref<1x128x128xf32, #tpu.memory_space<vmem>>
      %dma_start3A_556 = tpu.memref_squeeze %dma_start3A_555 : memref<1x128x128xf32, #tpu.memory_space<vmem>> -> memref<128x128xf32, #tpu.memory_space<vmem>>
      %dma_start3A_557 = arith.constant 0 : i32
      %dma_start3A_558 = tpu.memref_slice %arg5[%add3A_551, %dma_start3A_557] : memref<50x128xi32, #tpu.memory_space<vmem>> -> memref<1x128xi32, #tpu.memory_space<vmem>>
      %dma_start3A_559 = tpu.memref_squeeze %dma_start3A_558 : memref<1x128xi32, #tpu.memory_space<vmem>> -> memref<128xi32, #tpu.memory_space<vmem>>
      %dma_start3A_560 = arith.constant 0 : i32
      %dma_start3A_561 = arith.constant 0 : i32
      %dma_start3A_562 = tpu.memref_slice %arg2[%dma_start3A_560, %dma_start3A_561] : memref<100000x128xf32, #tpu.memory_space<hbm>> -> memref<100000x128xf32, #tpu.memory_space<hbm>>
      tpu.enqueue_indirect_dma source(%dma_start3A_562 : memref<100000x128xf32, #tpu.memory_space<hbm>>) target(%dma_start3A_556 : memref<128x128xf32, #tpu.memory_space<vmem>>) offsets(%dma_start3A_559 : memref<128xi32, #tpu.memory_space<vmem>>) semaphore(%arg11 : memref<!tpu.dma_semaphore, #tpu.memory_space<semaphore_mem>>)
      %dma_wait3A_563 = arith.constant 1 : i32
      %dma_wait3A_564 = arith.constant 0 : i32
      %dma_wait3A_565 = arith.constant 0 : i32
      %dma_wait3A_566 = tpu.memref_slice %arg6[%dma_wait3A_563, %dma_wait3A_564, %dma_wait3A_565] : memref<5x128x128xf32, #tpu.memory_space<vmem>> -> memref<1x128x128xf32, #tpu.memory_space<vmem>>
      %dma_wait3A_567 = tpu.memref_squeeze %dma_wait3A_566 : memref<1x128x128xf32, #tpu.memory_space<vmem>> -> memref<128x128xf32, #tpu.memory_space<vmem>>
      %dma_wait3A_568 = arith.constant 0 : i32
      %dma_wait3A_569 = tpu.memref_slice %arg5[%add3A_530, %dma_wait3A_568] : memref<50x128xi32, #tpu.memory_space<vmem>> -> memref<1x128xi32, #tpu.memory_space<vmem>>
      %dma_wait3A_570 = tpu.memref_squeeze %dma_wait3A_569 : memref<1x128xi32, #tpu.memory_space<vmem>> -> memref<128xi32, #tpu.memory_space<vmem>>
      %dma_wait3A_571 = arith.constant 0 : i32
      %dma_wait3A_572 = arith.constant 0 : i32
      %dma_wait3A_573 = tpu.memref_slice %arg2[%dma_wait3A_571, %dma_wait3A_572] : memref<100000x128xf32, #tpu.memory_space<hbm>> -> memref<100000x128xf32, #tpu.memory_space<hbm>>
      tpu.wait_indirect_dma semaphore(%arg8 : memref<!tpu.dma_semaphore, #tpu.memory_space<semaphore_mem>>) src(%dma_wait3A_573 : memref<100000x128xf32, #tpu.memory_space<hbm>>) dst(%dma_wait3A_567 : memref<128x128xf32, #tpu.memory_space<vmem>>)
      %dma_start3A_574 = arith.constant 1 : i32
      %dma_start3A_575 = arith.constant 0 : i32
      %dma_start3A_576 = arith.constant 0 : i32
      %dma_start3A_577 = tpu.memref_slice %arg6[%dma_start3A_574, %dma_start3A_575, %dma_start3A_576] : memref<5x128x128xf32, #tpu.memory_space<vmem>> -> memref<1x128x128xf32, #tpu.memory_space<vmem>>
      %dma_start3A_578 = tpu.memref_squeeze %dma_start3A_577 : memref<1x128x128xf32, #tpu.memory_space<vmem>> -> memref<128x128xf32, #tpu.memory_space<vmem>>
      %dma_start3A_579 = arith.constant 0 : i32
      %dma_start3A_580 = tpu.memref_slice %arg4[%add3A_530, %mul3A_2, %dma_start3A_579] : memref<50x4096x128xf32, #tpu.memory_space<hbm>> -> memref<1x128x128xf32, #tpu.memory_space<hbm>>
      %dma_start3A_581 = tpu.memref_squeeze %dma_start3A_580 : memref<1x128x128xf32, #tpu.memory_space<hbm>> -> memref<128x128xf32, #tpu.memory_space<hbm>>
      %dma_start3A_582 = arith.constant 0 : i32
      %dma_start3A_583 = tpu.memref_slice %arg4[%add3A_530, %mul3A_2, %dma_start3A_582] : memref<50x4096x128xf32, #tpu.memory_space<hbm>> -> memref<1x128x128xf32, #tpu.memory_space<hbm>>
      %dma_start3A_584 = tpu.memref_squeeze %dma_start3A_583 : memref<1x128x128xf32, #tpu.memory_space<hbm>> -> memref<128x128xf32, #tpu.memory_space<hbm>>
      %dma_start3A_585 = arith.constant 0 : i32
      %dma_start3A_586 = arith.constant 0 : i32
      %dma_start3A_587 = tpu.memref_slice %arg6[%dma_start3A_574, %dma_start3A_585, %dma_start3A_586] : memref<5x128x128xf32, #tpu.memory_space<vmem>> -> memref<1x128x128xf32, #tpu.memory_space<vmem>>
      %dma_start3A_588 = tpu.memref_squeeze %dma_start3A_587 : memref<1x128x128xf32, #tpu.memory_space<vmem>> -> memref<128x128xf32, #tpu.memory_space<vmem>>
      tpu.enqueue_dma source(%dma_start3A_588 : memref<128x128xf32, #tpu.memory_space<vmem>>) target(%dma_start3A_584 : memref<128x128xf32, #tpu.memory_space<hbm>>) target_semaphore(%arg13 : memref<!tpu.dma_semaphore, #tpu.memory_space<semaphore_mem>>)
    }
    %scan3A_120 = arith.constant 9 : i32
    %dma_wait3A_121 = arith.constant 47 : i32
    %dma_wait3A_122 = arith.constant 2 : i32
    %dma_wait3A_123 = arith.constant 0 : i32
    %dma_wait3A_124 = arith.constant 0 : i32
    %dma_wait3A_125 = tpu.memref_slice %arg6[%dma_wait3A_122, %dma_wait3A_123, %dma_wait3A_124] : memref<5x128x128xf32, #tpu.memory_space<vmem>> -> memref<1x128x128xf32, #tpu.memory_space<vmem>>
    %dma_wait3A_126 = tpu.memref_squeeze %dma_wait3A_125 : memref<1x128x128xf32, #tpu.memory_space<vmem>> -> memref<128x128xf32, #tpu.memory_space<vmem>>
    %dma_wait3A_127 = arith.constant 0 : i32
    %dma_wait3A_128 = tpu.memref_slice %arg5[%dma_wait3A_121, %dma_wait3A_127] : memref<50x128xi32, #tpu.memory_space<vmem>> -> memref<1x128xi32, #tpu.memory_space<vmem>>
    %dma_wait3A_129 = tpu.memref_squeeze %dma_wait3A_128 : memref<1x128xi32, #tpu.memory_space<vmem>> -> memref<128xi32, #tpu.memory_space<vmem>>
    %dma_wait3A_130 = arith.constant 0 : i32
    %dma_wait3A_131 = arith.constant 0 : i32
    %dma_wait3A_132 = tpu.memref_slice %arg2[%dma_wait3A_130, %dma_wait3A_131] : memref<100000x128xf32, #tpu.memory_space<hbm>> -> memref<100000x128xf32, #tpu.memory_space<hbm>>
    tpu.wait_indirect_dma semaphore(%arg9 : memref<!tpu.dma_semaphore, #tpu.memory_space<semaphore_mem>>) src(%dma_wait3A_132 : memref<100000x128xf32, #tpu.memory_space<hbm>>) dst(%dma_wait3A_126 : memref<128x128xf32, #tpu.memory_space<vmem>>)
    %dma_start3A_133 = arith.constant 2 : i32
    %dma_start3A_134 = arith.constant 47 : i32
    %dma_start3A_135 = arith.constant 0 : i32
    %dma_start3A_136 = arith.constant 0 : i32
    %dma_start3A_137 = tpu.memref_slice %arg6[%dma_start3A_133, %dma_start3A_135, %dma_start3A_136] : memref<5x128x128xf32, #tpu.memory_space<vmem>> -> memref<1x128x128xf32, #tpu.memory_space<vmem>>
    %dma_start3A_138 = tpu.memref_squeeze %dma_start3A_137 : memref<1x128x128xf32, #tpu.memory_space<vmem>> -> memref<128x128xf32, #tpu.memory_space<vmem>>
    %dma_start3A_139 = arith.constant 0 : i32
    %dma_start3A_140 = tpu.memref_slice %arg4[%dma_start3A_134, %mul3A_2, %dma_start3A_139] : memref<50x4096x128xf32, #tpu.memory_space<hbm>> -> memref<1x128x128xf32, #tpu.memory_space<hbm>>
    %dma_start3A_141 = tpu.memref_squeeze %dma_start3A_140 : memref<1x128x128xf32, #tpu.memory_space<hbm>> -> memref<128x128xf32, #tpu.memory_space<hbm>>
    %dma_start3A_142 = arith.constant 0 : i32
    %dma_start3A_143 = tpu.memref_slice %arg4[%dma_start3A_134, %mul3A_2, %dma_start3A_142] : memref<50x4096x128xf32, #tpu.memory_space<hbm>> -> memref<1x128x128xf32, #tpu.memory_space<hbm>>
    %dma_start3A_144 = tpu.memref_squeeze %dma_start3A_143 : memref<1x128x128xf32, #tpu.memory_space<hbm>> -> memref<128x128xf32, #tpu.memory_space<hbm>>
    %dma_start3A_145 = arith.constant 0 : i32
    %dma_start3A_146 = arith.constant 0 : i32
    %dma_start3A_147 = tpu.memref_slice %arg6[%dma_start3A_133, %dma_start3A_145, %dma_start3A_146] : memref<5x128x128xf32, #tpu.memory_space<vmem>> -> memref<1x128x128xf32, #tpu.memory_space<vmem>>
    %dma_start3A_148 = tpu.memref_squeeze %dma_start3A_147 : memref<1x128x128xf32, #tpu.memory_space<vmem>> -> memref<128x128xf32, #tpu.memory_space<vmem>>
    tpu.enqueue_dma source(%dma_start3A_148 : memref<128x128xf32, #tpu.memory_space<vmem>>) target(%dma_start3A_144 : memref<128x128xf32, #tpu.memory_space<hbm>>) target_semaphore(%arg14 : memref<!tpu.dma_semaphore, #tpu.memory_space<semaphore_mem>>)
    %dma_wait3A_149 = arith.constant 48 : i32
    %dma_wait3A_150 = arith.constant 3 : i32
    %dma_wait3A_151 = arith.constant 0 : i32
    %dma_wait3A_152 = arith.constant 0 : i32
    %dma_wait3A_153 = tpu.memref_slice %arg6[%dma_wait3A_150, %dma_wait3A_151, %dma_wait3A_152] : memref<5x128x128xf32, #tpu.memory_space<vmem>> -> memref<1x128x128xf32, #tpu.memory_space<vmem>>
    %dma_wait3A_154 = tpu.memref_squeeze %dma_wait3A_153 : memref<1x128x128xf32, #tpu.memory_space<vmem>> -> memref<128x128xf32, #tpu.memory_space<vmem>>
    %dma_wait3A_155 = arith.constant 0 : i32
    %dma_wait3A_156 = tpu.memref_slice %arg5[%dma_wait3A_149, %dma_wait3A_155] : memref<50x128xi32, #tpu.memory_space<vmem>> -> memref<1x128xi32, #tpu.memory_space<vmem>>
    %dma_wait3A_157 = tpu.memref_squeeze %dma_wait3A_156 : memref<1x128xi32, #tpu.memory_space<vmem>> -> memref<128xi32, #tpu.memory_space<vmem>>
    %dma_wait3A_158 = arith.constant 0 : i32
    %dma_wait3A_159 = arith.constant 0 : i32
    %dma_wait3A_160 = tpu.memref_slice %arg2[%dma_wait3A_158, %dma_wait3A_159] : memref<100000x128xf32, #tpu.memory_space<hbm>> -> memref<100000x128xf32, #tpu.memory_space<hbm>>
    tpu.wait_indirect_dma semaphore(%arg10 : memref<!tpu.dma_semaphore, #tpu.memory_space<semaphore_mem>>) src(%dma_wait3A_160 : memref<100000x128xf32, #tpu.memory_space<hbm>>) dst(%dma_wait3A_154 : memref<128x128xf32, #tpu.memory_space<vmem>>)
    %dma_start3A_161 = arith.constant 3 : i32
    %dma_start3A_162 = arith.constant 48 : i32
    %dma_start3A_163 = arith.constant 0 : i32
    %dma_start3A_164 = arith.constant 0 : i32
    %dma_start3A_165 = tpu.memref_slice %arg6[%dma_start3A_161, %dma_start3A_163, %dma_start3A_164] : memref<5x128x128xf32, #tpu.memory_space<vmem>> -> memref<1x128x128xf32, #tpu.memory_space<vmem>>
    %dma_start3A_166 = tpu.memref_squeeze %dma_start3A_165 : memref<1x128x128xf32, #tpu.memory_space<vmem>> -> memref<128x128xf32, #tpu.memory_space<vmem>>
    %dma_start3A_167 = arith.constant 0 : i32
    %dma_start3A_168 = tpu.memref_slice %arg4[%dma_start3A_162, %mul3A_2, %dma_start3A_167] : memref<50x4096x128xf32, #tpu.memory_space<hbm>> -> memref<1x128x128xf32, #tpu.memory_space<hbm>>
    %dma_start3A_169 = tpu.memref_squeeze %dma_start3A_168 : memref<1x128x128xf32, #tpu.memory_space<hbm>> -> memref<128x128xf32, #tpu.memory_space<hbm>>
    %dma_start3A_170 = arith.constant 0 : i32
    %dma_start3A_171 = tpu.memref_slice %arg4[%dma_start3A_162, %mul3A_2, %dma_start3A_170] : memref<50x4096x128xf32, #tpu.memory_space<hbm>> -> memref<1x128x128xf32, #tpu.memory_space<hbm>>
    %dma_start3A_172 = tpu.memref_squeeze %dma_start3A_171 : memref<1x128x128xf32, #tpu.memory_space<hbm>> -> memref<128x128xf32, #tpu.memory_space<hbm>>
    %dma_start3A_173 = arith.constant 0 : i32
    %dma_start3A_174 = arith.constant 0 : i32
    %dma_start3A_175 = tpu.memref_slice %arg6[%dma_start3A_161, %dma_start3A_173, %dma_start3A_174] : memref<5x128x128xf32, #tpu.memory_space<vmem>> -> memref<1x128x128xf32, #tpu.memory_space<vmem>>
    %dma_start3A_176 = tpu.memref_squeeze %dma_start3A_175 : memref<1x128x128xf32, #tpu.memory_space<vmem>> -> memref<128x128xf32, #tpu.memory_space<vmem>>
    tpu.enqueue_dma source(%dma_start3A_176 : memref<128x128xf32, #tpu.memory_space<vmem>>) target(%dma_start3A_172 : memref<128x128xf32, #tpu.memory_space<hbm>>) target_semaphore(%arg15 : memref<!tpu.dma_semaphore, #tpu.memory_space<semaphore_mem>>)
    %dma_wait3A_177 = arith.constant 49 : i32
    %dma_wait3A_178 = arith.constant 4 : i32
    %dma_wait3A_179 = arith.constant 0 : i32
    %dma_wait3A_180 = arith.constant 0 : i32
    %dma_wait3A_181 = tpu.memref_slice %arg6[%dma_wait3A_178, %dma_wait3A_179, %dma_wait3A_180] : memref<5x128x128xf32, #tpu.memory_space<vmem>> -> memref<1x128x128xf32, #tpu.memory_space<vmem>>
    %dma_wait3A_182 = tpu.memref_squeeze %dma_wait3A_181 : memref<1x128x128xf32, #tpu.memory_space<vmem>> -> memref<128x128xf32, #tpu.memory_space<vmem>>
    %dma_wait3A_183 = arith.constant 0 : i32
    %dma_wait3A_184 = tpu.memref_slice %arg5[%dma_wait3A_177, %dma_wait3A_183] : memref<50x128xi32, #tpu.memory_space<vmem>> -> memref<1x128xi32, #tpu.memory_space<vmem>>
    %dma_wait3A_185 = tpu.memref_squeeze %dma_wait3A_184 : memref<1x128xi32, #tpu.memory_space<vmem>> -> memref<128xi32, #tpu.memory_space<vmem>>
    %dma_wait3A_186 = arith.constant 0 : i32
    %dma_wait3A_187 = arith.constant 0 : i32
    %dma_wait3A_188 = tpu.memref_slice %arg2[%dma_wait3A_186, %dma_wait3A_187] : memref<100000x128xf32, #tpu.memory_space<hbm>> -> memref<100000x128xf32, #tpu.memory_space<hbm>>
    tpu.wait_indirect_dma semaphore(%arg11 : memref<!tpu.dma_semaphore, #tpu.memory_space<semaphore_mem>>) src(%dma_wait3A_188 : memref<100000x128xf32, #tpu.memory_space<hbm>>) dst(%dma_wait3A_182 : memref<128x128xf32, #tpu.memory_space<vmem>>)
    %dma_start3A_189 = arith.constant 4 : i32
    %dma_start3A_190 = arith.constant 49 : i32
    %dma_start3A_191 = arith.constant 0 : i32
    %dma_start3A_192 = arith.constant 0 : i32
    %dma_start3A_193 = tpu.memref_slice %arg6[%dma_start3A_189, %dma_start3A_191, %dma_start3A_192] : memref<5x128x128xf32, #tpu.memory_space<vmem>> -> memref<1x128x128xf32, #tpu.memory_space<vmem>>
    %dma_start3A_194 = tpu.memref_squeeze %dma_start3A_193 : memref<1x128x128xf32, #tpu.memory_space<vmem>> -> memref<128x128xf32, #tpu.memory_space<vmem>>
    %dma_start3A_195 = arith.constant 0 : i32
    %dma_start3A_196 = tpu.memref_slice %arg4[%dma_start3A_190, %mul3A_2, %dma_start3A_195] : memref<50x4096x128xf32, #tpu.memory_space<hbm>> -> memref<1x128x128xf32, #tpu.memory_space<hbm>>
    %dma_start3A_197 = tpu.memref_squeeze %dma_start3A_196 : memref<1x128x128xf32, #tpu.memory_space<hbm>> -> memref<128x128xf32, #tpu.memory_space<hbm>>
    %dma_start3A_198 = arith.constant 0 : i32
    %dma_start3A_199 = tpu.memref_slice %arg4[%dma_start3A_190, %mul3A_2, %dma_start3A_198] : memref<50x4096x128xf32, #tpu.memory_space<hbm>> -> memref<1x128x128xf32, #tpu.memory_space<hbm>>
    %dma_start3A_200 = tpu.memref_squeeze %dma_start3A_199 : memref<1x128x128xf32, #tpu.memory_space<hbm>> -> memref<128x128xf32, #tpu.memory_space<hbm>>
    %dma_start3A_201 = arith.constant 0 : i32
    %dma_start3A_202 = arith.constant 0 : i32
    %dma_start3A_203 = tpu.memref_slice %arg6[%dma_start3A_189, %dma_start3A_201, %dma_start3A_202] : memref<5x128x128xf32, #tpu.memory_space<vmem>> -> memref<1x128x128xf32, #tpu.memory_space<vmem>>
    %dma_start3A_204 = tpu.memref_squeeze %dma_start3A_203 : memref<1x128x128xf32, #tpu.memory_space<vmem>> -> memref<128x128xf32, #tpu.memory_space<vmem>>
    tpu.enqueue_dma source(%dma_start3A_204 : memref<128x128xf32, #tpu.memory_space<vmem>>) target(%dma_start3A_200 : memref<128x128xf32, #tpu.memory_space<hbm>>) target_semaphore(%arg16 : memref<!tpu.dma_semaphore, #tpu.memory_space<semaphore_mem>>)
    %dma_wait3A_205 = arith.constant 0 : i32
    %dma_wait3A_206 = arith.constant 45 : i32
    %dma_wait3A_207 = arith.constant 0 : i32
    %dma_wait3A_208 = arith.constant 0 : i32
    %dma_wait3A_209 = tpu.memref_slice %arg6[%dma_wait3A_205, %dma_wait3A_207, %dma_wait3A_208] : memref<5x128x128xf32, #tpu.memory_space<vmem>> -> memref<1x128x128xf32, #tpu.memory_space<vmem>>
    %dma_wait3A_210 = tpu.memref_squeeze %dma_wait3A_209 : memref<1x128x128xf32, #tpu.memory_space<vmem>> -> memref<128x128xf32, #tpu.memory_space<vmem>>
    %dma_wait3A_211 = arith.constant 0 : i32
    %dma_wait3A_212 = tpu.memref_slice %arg4[%dma_wait3A_206, %mul3A_2, %dma_wait3A_211] : memref<50x4096x128xf32, #tpu.memory_space<hbm>> -> memref<1x128x128xf32, #tpu.memory_space<hbm>>
    %dma_wait3A_213 = tpu.memref_squeeze %dma_wait3A_212 : memref<1x128x128xf32, #tpu.memory_space<hbm>> -> memref<128x128xf32, #tpu.memory_space<hbm>>
    %dma_wait3A_214 = arith.constant 0 : i32
    %dma_wait3A_215 = tpu.memref_slice %arg4[%dma_wait3A_206, %mul3A_2, %dma_wait3A_214] : memref<50x4096x128xf32, #tpu.memory_space<hbm>> -> memref<1x128x128xf32, #tpu.memory_space<hbm>>
    %dma_wait3A_216 = tpu.memref_squeeze %dma_wait3A_215 : memref<1x128x128xf32, #tpu.memory_space<hbm>> -> memref<128x128xf32, #tpu.memory_space<hbm>>
    %dma_wait3A_217 = arith.constant 0 : i32
    %dma_wait3A_218 = arith.constant 0 : i32
    %dma_wait3A_219 = tpu.memref_slice %arg6[%dma_wait3A_205, %dma_wait3A_217, %dma_wait3A_218] : memref<5x128x128xf32, #tpu.memory_space<vmem>> -> memref<1x128x128xf32, #tpu.memory_space<vmem>>
    %dma_wait3A_220 = tpu.memref_squeeze %dma_wait3A_219 : memref<1x128x128xf32, #tpu.memory_space<vmem>> -> memref<128x128xf32, #tpu.memory_space<vmem>>
    tpu.wait_dma2 semaphore(%arg12 : memref<!tpu.dma_semaphore, #tpu.memory_space<semaphore_mem>>) src(%dma_wait3A_220 : memref<128x128xf32, #tpu.memory_space<vmem>>) dst(%dma_wait3A_216 : memref<128x128xf32, #tpu.memory_space<hbm>>)
    %dma_wait3A_221 = arith.constant 1 : i32
    %dma_wait3A_222 = arith.constant 46 : i32
    %dma_wait3A_223 = arith.constant 0 : i32
    %dma_wait3A_224 = arith.constant 0 : i32
    %dma_wait3A_225 = tpu.memref_slice %arg6[%dma_wait3A_221, %dma_wait3A_223, %dma_wait3A_224] : memref<5x128x128xf32, #tpu.memory_space<vmem>> -> memref<1x128x128xf32, #tpu.memory_space<vmem>>
    %dma_wait3A_226 = tpu.memref_squeeze %dma_wait3A_225 : memref<1x128x128xf32, #tpu.memory_space<vmem>> -> memref<128x128xf32, #tpu.memory_space<vmem>>
    %dma_wait3A_227 = arith.constant 0 : i32
    %dma_wait3A_228 = tpu.memref_slice %arg4[%dma_wait3A_222, %mul3A_2, %dma_wait3A_227] : memref<50x4096x128xf32, #tpu.memory_space<hbm>> -> memref<1x128x128xf32, #tpu.memory_space<hbm>>
    %dma_wait3A_229 = tpu.memref_squeeze %dma_wait3A_228 : memref<1x128x128xf32, #tpu.memory_space<hbm>> -> memref<128x128xf32, #tpu.memory_space<hbm>>
    %dma_wait3A_230 = arith.constant 0 : i32
    %dma_wait3A_231 = tpu.memref_slice %arg4[%dma_wait3A_222, %mul3A_2, %dma_wait3A_230] : memref<50x4096x128xf32, #tpu.memory_space<hbm>> -> memref<1x128x128xf32, #tpu.memory_space<hbm>>
    %dma_wait3A_232 = tpu.memref_squeeze %dma_wait3A_231 : memref<1x128x128xf32, #tpu.memory_space<hbm>> -> memref<128x128xf32, #tpu.memory_space<hbm>>
    %dma_wait3A_233 = arith.constant 0 : i32
    %dma_wait3A_234 = arith.constant 0 : i32
    %dma_wait3A_235 = tpu.memref_slice %arg6[%dma_wait3A_221, %dma_wait3A_233, %dma_wait3A_234] : memref<5x128x128xf32, #tpu.memory_space<vmem>> -> memref<1x128x128xf32, #tpu.memory_space<vmem>>
    %dma_wait3A_236 = tpu.memref_squeeze %dma_wait3A_235 : memref<1x128x128xf32, #tpu.memory_space<vmem>> -> memref<128x128xf32, #tpu.memory_space<vmem>>
    tpu.wait_dma2 semaphore(%arg13 : memref<!tpu.dma_semaphore, #tpu.memory_space<semaphore_mem>>) src(%dma_wait3A_236 : memref<128x128xf32, #tpu.memory_space<vmem>>) dst(%dma_wait3A_232 : memref<128x128xf32, #tpu.memory_space<hbm>>)
    %dma_wait3A_237 = arith.constant 2 : i32
    %dma_wait3A_238 = arith.constant 47 : i32
    %dma_wait3A_239 = arith.constant 0 : i32
    %dma_wait3A_240 = arith.constant 0 : i32
    %dma_wait3A_241 = tpu.memref_slice %arg6[%dma_wait3A_237, %dma_wait3A_239, %dma_wait3A_240] : memref<5x128x128xf32, #tpu.memory_space<vmem>> -> memref<1x128x128xf32, #tpu.memory_space<vmem>>
    %dma_wait3A_242 = tpu.memref_squeeze %dma_wait3A_241 : memref<1x128x128xf32, #tpu.memory_space<vmem>> -> memref<128x128xf32, #tpu.memory_space<vmem>>
    %dma_wait3A_243 = arith.constant 0 : i32
    %dma_wait3A_244 = tpu.memref_slice %arg4[%dma_wait3A_238, %mul3A_2, %dma_wait3A_243] : memref<50x4096x128xf32, #tpu.memory_space<hbm>> -> memref<1x128x128xf32, #tpu.memory_space<hbm>>
    %dma_wait3A_245 = tpu.memref_squeeze %dma_wait3A_244 : memref<1x128x128xf32, #tpu.memory_space<hbm>> -> memref<128x128xf32, #tpu.memory_space<hbm>>
    %dma_wait3A_246 = arith.constant 0 : i32
    %dma_wait3A_247 = tpu.memref_slice %arg4[%dma_wait3A_238, %mul3A_2, %dma_wait3A_246] : memref<50x4096x128xf32, #tpu.memory_space<hbm>> -> memref<1x128x128xf32, #tpu.memory_space<hbm>>
    %dma_wait3A_248 = tpu.memref_squeeze %dma_wait3A_247 : memref<1x128x128xf32, #tpu.memory_space<hbm>> -> memref<128x128xf32, #tpu.memory_space<hbm>>
    %dma_wait3A_249 = arith.constant 0 : i32
    %dma_wait3A_250 = arith.constant 0 : i32
    %dma_wait3A_251 = tpu.memref_slice %arg6[%dma_wait3A_237, %dma_wait3A_249, %dma_wait3A_250] : memref<5x128x128xf32, #tpu.memory_space<vmem>> -> memref<1x128x128xf32, #tpu.memory_space<vmem>>
    %dma_wait3A_252 = tpu.memref_squeeze %dma_wait3A_251 : memref<1x128x128xf32, #tpu.memory_space<vmem>> -> memref<128x128xf32, #tpu.memory_space<vmem>>
    tpu.wait_dma2 semaphore(%arg14 : memref<!tpu.dma_semaphore, #tpu.memory_space<semaphore_mem>>) src(%dma_wait3A_252 : memref<128x128xf32, #tpu.memory_space<vmem>>) dst(%dma_wait3A_248 : memref<128x128xf32, #tpu.memory_space<hbm>>)
    %dma_wait3A_253 = arith.constant 3 : i32
    %dma_wait3A_254 = arith.constant 48 : i32
    %dma_wait3A_255 = arith.constant 0 : i32
    %dma_wait3A_256 = arith.constant 0 : i32
    %dma_wait3A_257 = tpu.memref_slice %arg6[%dma_wait3A_253, %dma_wait3A_255, %dma_wait3A_256] : memref<5x128x128xf32, #tpu.memory_space<vmem>> -> memref<1x128x128xf32, #tpu.memory_space<vmem>>
    %dma_wait3A_258 = tpu.memref_squeeze %dma_wait3A_257 : memref<1x128x128xf32, #tpu.memory_space<vmem>> -> memref<128x128xf32, #tpu.memory_space<vmem>>
    %dma_wait3A_259 = arith.constant 0 : i32
    %dma_wait3A_260 = tpu.memref_slice %arg4[%dma_wait3A_254, %mul3A_2, %dma_wait3A_259] : memref<50x4096x128xf32, #tpu.memory_space<hbm>> -> memref<1x128x128xf32, #tpu.memory_space<hbm>>
    %dma_wait3A_261 = tpu.memref_squeeze %dma_wait3A_260 : memref<1x128x128xf32, #tpu.memory_space<hbm>> -> memref<128x128xf32, #tpu.memory_space<hbm>>
    %dma_wait3A_262 = arith.constant 0 : i32
    %dma_wait3A_263 = tpu.memref_slice %arg4[%dma_wait3A_254, %mul3A_2, %dma_wait3A_262] : memref<50x4096x128xf32, #tpu.memory_space<hbm>> -> memref<1x128x128xf32, #tpu.memory_space<hbm>>
    %dma_wait3A_264 = tpu.memref_squeeze %dma_wait3A_263 : memref<1x128x128xf32, #tpu.memory_space<hbm>> -> memref<128x128xf32, #tpu.memory_space<hbm>>
    %dma_wait3A_265 = arith.constant 0 : i32
    %dma_wait3A_266 = arith.constant 0 : i32
    %dma_wait3A_267 = tpu.memref_slice %arg6[%dma_wait3A_253, %dma_wait3A_265, %dma_wait3A_266] : memref<5x128x128xf32, #tpu.memory_space<vmem>> -> memref<1x128x128xf32, #tpu.memory_space<vmem>>
    %dma_wait3A_268 = tpu.memref_squeeze %dma_wait3A_267 : memref<1x128x128xf32, #tpu.memory_space<vmem>> -> memref<128x128xf32, #tpu.memory_space<vmem>>
    tpu.wait_dma2 semaphore(%arg15 : memref<!tpu.dma_semaphore, #tpu.memory_space<semaphore_mem>>) src(%dma_wait3A_268 : memref<128x128xf32, #tpu.memory_space<vmem>>) dst(%dma_wait3A_264 : memref<128x128xf32, #tpu.memory_space<hbm>>)
    %dma_wait3A_269 = arith.constant 4 : i32
    %dma_wait3A_270 = arith.constant 49 : i32
    %dma_wait3A_271 = arith.constant 0 : i32
    %dma_wait3A_272 = arith.constant 0 : i32
    %dma_wait3A_273 = tpu.memref_slice %arg6[%dma_wait3A_269, %dma_wait3A_271, %dma_wait3A_272] : memref<5x128x128xf32, #tpu.memory_space<vmem>> -> memref<1x128x128xf32, #tpu.memory_space<vmem>>
    %dma_wait3A_274 = tpu.memref_squeeze %dma_wait3A_273 : memref<1x128x128xf32, #tpu.memory_space<vmem>> -> memref<128x128xf32, #tpu.memory_space<vmem>>
    %dma_wait3A_275 = arith.constant 0 : i32
    %dma_wait3A_276 = tpu.memref_slice %arg4[%dma_wait3A_270, %mul3A_2, %dma_wait3A_275] : memref<50x4096x128xf32, #tpu.memory_space<hbm>> -> memref<1x128x128xf32, #tpu.memory_space<hbm>>
    %dma_wait3A_277 = tpu.memref_squeeze %dma_wait3A_276 : memref<1x128x128xf32, #tpu.memory_space<hbm>> -> memref<128x128xf32, #tpu.memory_space<hbm>>
    %dma_wait3A_278 = arith.constant 0 : i32
    %dma_wait3A_279 = tpu.memref_slice %arg4[%dma_wait3A_270, %mul3A_2, %dma_wait3A_278] : memref<50x4096x128xf32, #tpu.memory_space<hbm>> -> memref<1x128x128xf32, #tpu.memory_space<hbm>>
    %dma_wait3A_280 = tpu.memref_squeeze %dma_wait3A_279 : memref<1x128x128xf32, #tpu.memory_space<hbm>> -> memref<128x128xf32, #tpu.memory_space<hbm>>
    %dma_wait3A_281 = arith.constant 0 : i32
    %dma_wait3A_282 = arith.constant 0 : i32
    %dma_wait3A_283 = tpu.memref_slice %arg6[%dma_wait3A_269, %dma_wait3A_281, %dma_wait3A_282] : memref<5x128x128xf32, #tpu.memory_space<vmem>> -> memref<1x128x128xf32, #tpu.memory_space<vmem>>
    %dma_wait3A_284 = tpu.memref_squeeze %dma_wait3A_283 : memref<1x128x128xf32, #tpu.memory_space<vmem>> -> memref<128x128xf32, #tpu.memory_space<vmem>>
    tpu.wait_dma2 semaphore(%arg16 : memref<!tpu.dma_semaphore, #tpu.memory_space<semaphore_mem>>) src(%dma_wait3A_284 : memref<128x128xf32, #tpu.memory_space<vmem>>) dst(%dma_wait3A_280 : memref<128x128xf32, #tpu.memory_space<hbm>>)
    return
  }
}

</mosaic_0001>

<sc_bundles>
// kernel: kernel.3.cloned.1.call-start
scs
__scs_entry_jumppad:
0x0: {  	(pc) =	sbr.rel $0x88, $3  }
0x1: {  	(tag) =	ssettag $0x0;
	lr =	simm.s32 $0x1  }
0x2: {  	[smem:$0x3F9F] =	sst lr;
	_ =	strace $0xD0000000  }
0x3: {  	_ = 	snop  }
0x4: {  	_ = 	snop  }
0x5: {  	_ = 	snop  }
0x6: {  	_ = 	snop  }
0x7: {  	_ = 	snop  }
__scs_overlays_trampoline_lowered:
0x8: {  	[smem:$0x3FAE] =	sst s0  }
0x9: {  	[smem:$0x3FAF] =	sst s1  }
0xa: {  	[smem:$0x3FB0] =	sst s2  }
0xb: {  	[smem:$0x3FB1] =	sst s3  }
0xc: {  	[smem:$0x3FB2] =	sst s4  }
0xd: {  	[smem:$0x3FB3] =	sst s5  }
0xe: {  	[smem:$0x3FB4] =	sst s6  }
0xf: {  	[smem:$0x3FB5] =	sst s7  }
0x10: {  	[smem:$0x3FB6] =	sst s8  }
0x11: {  	[smem:$0x3FB7] =	sst s9;
	s0 =	simm.s32 @!p0 $0x0  }
0x12: {  	s1 =	sld [smem:$0x3F9D];
	s0 =	simm.s32 @p0 $0x1  }
0x13: {  	[smem:$0x3FB8] =	sst s0;
	s0 =	simm.s32 @!p1 $0x0  }
0x14: {  	s2 =	sld [smem:$0x3F9C];
	s0 =	simm.s32 @p1 $0x1  }
0x15: {  	[smem:$0x3FB9] =	sst s0;
	s0 =	simm.s32 @!p2 $0x0  }
0x16: {  	s3 =	sld [smem:$0x3FDB];
	s0 =	simm.s32 @p2 $0x1  }
0x17: {  	s4 =	simm.s32 $0x1BF5;
	[smem:$0x3FBB] =	sst s0  }
0x18: {  	s0 =	sld [smem:$0x3F9E];
	_ =	swait.ge [sflag:s4], $0x0  }
0x19: {  	s7 =	sld [smem:$0x3F9F]  }
0x1a: {  	s8 =	sadd.s32 $0xFFFFE003, lr  }
0x1b: {  	s9 =	sadd.s32 $0xFFFFFEF7, lr;
	s5 =	simm.s32 $0xFFFFFFFF;
	p2 =	slt.u32 s8, $0xFFFFF086  }
0x1c: {  	p1 =	slt.u32 s9, $0xF7A;
	s5 =	simm.s32 @!p2 $0x0  }
0x1d: {  	s5 =	simm.s32 @p1 $0x1;
	p0 =	seq.s32 s7, s2  }
0x1e: {  	s7 =	smul.u32 @!p0 $0xF7A, s2;
	p2 =	seq.s32 @!p0 s5, $0x0  }
0x1f: {  	s9 =	smul.u32 $0xF7A, s1;
	s8 =	simm.s32 @!p0 $0x1BF5;
	p2 =	por !p2, p0  }
0x20: {  	[sflag:s8] =	ssyncset.s32 @!p0 $0xFFFFF086;
	s6 =	sadd.s32 @!p0 s3, s7;
	s7 =	simm.s32 @!p0 $0x108  }
0x21: {  	s3 =	sadd.s32 s3, s9;
	s6 =	sadd.s32 @!p0 $0x88, s6;
	s7 =	simm.s32 @p2 $0x1082  }
0x22: {  	[simem:s7], [sflag:s8] =	dma.local @!p0 [hbm:s6], $0xF7A  }
0x23: {  	s9 =	sor.u32 $0xD0000000, s2;
	s6 =	simm.s32 $0x108;
	_ =	swait.ge @!p0 [sflag:s8], $0x0  }
0x24: {  	s3 =	sadd.s32 $0x88, s3;
	s6 =	simm.s32 @!p1 $0x1082;
	[sflag:s4] =	ssyncset.s32 $0xFFFFF086  }
0x25: {  	[simem:s6], [sflag:s4] =	dma.local [hbm:s3], $0xF7A  }
0x26: {  	[smem:$0x3F9F] =	sst s1;
	(tag) =	ssettag s2;
	_ =	strace s9  }
0x27: {  	s1 =	sld [smem:$0x3FAF]  }
0x28: {  	s2 =	sld [smem:$0x3FB0]  }
0x29: {  	s4 =	sld [smem:$0x3FB2]  }
0x2a: {  	p0 =	seq.s32 s5, $0x0;
	s5 =	sld [smem:$0x3FB3]  }
0x2b: {  	s6 =	sld [smem:$0x3FB4]  }
0x2c: {  	s7 =	sld [smem:$0x3FB5]  }
0x2d: {  	s3 =	simm.s32 $0x108;
	s8 =	sld [smem:$0x3FB6]  }
0x2e: {  	s3 =	simm.s32 @!p0 $0x1082;
	s9 =	sld [smem:$0x3FB7]  }
0x2f: {  	lr =	sadd.s32 s0, s3;
	s0 =	sld [smem:$0x3FAE]  }
0x30: {  	s3 =	sld [smem:$0x3FB1]  }
0x31: {  	[smem:$0x3FBA] =	sst s10  }
0x32: {  	s10 =	sld [smem:$0x3FB8];
	_ =	sdelay $0x3  }
0x33: {  	p0 =	seq.s32 s10, $0x1;
	s10 =	sld [smem:$0x3FBA];
	_ =	sdelay $0x3  }
0x34: {  	[smem:$0x3FBA] =	sst s10  }
0x35: {  	s10 =	sld [smem:$0x3FB9];
	_ =	sdelay $0x3  }
0x36: {  	p1 =	seq.s32 s10, $0x1;
	s10 =	sld [smem:$0x3FBA];
	_ =	sdelay $0x3  }
0x37: {  	[smem:$0x3FBA] =	sst s10  }
0x38: {  	s10 =	sld [smem:$0x3FBB]  }
0x39: {  	_ = 	snop;
	(pc) =	sbr.ind lr, $3  }
0x3a: {  	_ = 	snop  }
0x3b: {  	_ = 	snop  }
0x3c: {  	p2 =	seq.s32 s10, $0x1;
	s10 =	sld [smem:$0x3FBA]  }
0x3d: {  	_ =	shalt  }
0x3e: {  	_ =	shalt  }
0x3f: {  	_ =	shalt  }
0x40: {  	_ =	shalt  }
0x41: {  	_ =	shalt  }
0x42: {  	_ =	shalt  }
0x43: {  	_ =	shalt  }
0x44: {  	_ =	shalt  }
0x45: {  	_ =	shalt  }
0x46: {  	_ =	shalt  }
0x47: {  	_ =	shalt  }
0x48: {  	_ =	shalt  }
0x49: {  	_ =	shalt  }
0x4a: {  	_ =	shalt  }
0x4b: {  	_ =	shalt  }
0x4c: {  	_ =	shalt  }
0x4d: {  	_ =	shalt  }
0x4e: {  	_ =	shalt  }
0x4f: {  	_ =	shalt  }
0x50: {  	_ =	shalt  }
0x51: {  	_ =	shalt  }
0x52: {  	_ =	shalt  }
0x53: {  	_ =	shalt  }
0x54: {  	_ =	shalt  }
0x55: {  	_ =	shalt  }
0x56: {  	_ =	shalt  }
0x57: {  	_ =	shalt  }
0x58: {  	_ =	shalt  }
0x59: {  	_ =	shalt  }
0x5a: {  	_ =	shalt  }
0x5b: {  	_ =	shalt  }
0x5c: {  	_ =	shalt  }
0x5d: {  	_ =	shalt  }
0x5e: {  	_ =	shalt  }
0x5f: {  	_ =	shalt  }
0x60: {  	_ =	shalt  }
0x61: {  	_ =	shalt  }
0x62: {  	_ =	shalt  }
0x63: {  	_ =	shalt  }
0x64: {  	_ =	shalt  }
0x65: {  	_ =	shalt  }
0x66: {  	_ =	shalt  }
0x67: {  	_ =	shalt  }
0x68: {  	_ =	shalt  }
0x69: {  	_ =	shalt  }
0x6a: {  	_ =	shalt  }
0x6b: {  	_ =	shalt  }
0x6c: {  	_ =	shalt  }
0x6d: {  	_ =	shalt  }
0x6e: {  	_ =	shalt  }
0x6f: {  	_ =	shalt  }
0x70: {  	_ =	shalt  }
0x71: {  	_ =	shalt  }
0x72: {  	_ =	shalt  }
0x73: {  	_ =	shalt  }
0x74: {  	_ =	shalt  }
0x75: {  	_ =	shalt  }
0x76: {  	_ =	shalt  }
0x77: {  	_ =	shalt  }
0x78: {  	_ =	shalt  }
0x79: {  	_ =	shalt  }
0x7a: {  	_ =	shalt  }
0x7b: {  	_ =	shalt  }
0x7c: {  	_ =	shalt  }
0x7d: {  	_ =	shalt  }
0x7e: {  	_ =	shalt  }
0x7f: {  	_ =	shalt  }
0x80: {  	_ =	shalt  }
0x81: {  	_ =	shalt  }
0x82: {  	_ =	shalt  }
0x83: {  	_ =	shalt  }
0x84: {  	_ =	shalt  }
0x85: {  	_ =	shalt  }
0x86: {  	_ =	shalt  }
0x87: {  	_ =	shalt  }
.Lfunc_end0:
.L_simem_size_0:
called_computation_lowered:
.L_overlay_start_0:
0x88: {  	s2 =	sld [smem:$0x3FD9]  }
0x89: {  	s3 =	sld [smem:$0x3FFE];
	_ =	sdelay $0x1  }
0x8a: {  	s1 =	srdreg.scid  }
0x8b: {  	s0 =	sand.u32 $0x1, s1  }
0x8c: {  	s17 =	sshll.u32 s0, $0xA;
	s2 =	sadd.s32 s3, s2  }
0x8d: {  	s2 =	sadd.s32 s2, s17  }
0x8e: {  	[smem:$0x3FC6] =	sst s2  }
0x8f: {  	_ = 	snop  }
0x90: {  	s2 =	sld [smem:$0x3FC8]  }
0x91: {  	s18 =	sld [smem:$0x3FD0];
	(tm) =	ssettm $0x1  }
0x92: {  	s4 =	sld [smem:$0x3FFB];
	_ =	sdelay $0x3  }
0x93: {  	_ =	strace s4  }
0x94: {  	s4 =	sld [smem:$0x3FFC];
	_ =	sdelay $0x3  }
0x95: {  	_ =	strace s4  }
0x96: {  	s4 =	sld [smem:$0x3FFD];
	_ =	sdelay $0x3  }
0x97: {  	_ =	strace s4  }
0x98: {  	_ =	strace $0x8FFFFFFF  }
0x99: {  	s19 =	sld [smem:$0x3FDB];
	_ =	sdelay $0x1  }
0x9a: {  	s5 =	simm.s32 $_scs_section_size  }
0x9b: {  	s6 =	simm.s32 $_size__tile_overlayer_lowered;
	s7 =	simm.s32 $_tile_overlayer_lowered  }
0x9c: {  	s22 =	simm.s32 $0x1BFF;
	s21 =	sshll.u32 s7, $0x1;
	s4 =	sadd.s32 s5, s19  }
0x9d: {  	s8 =	simm.s32 $0x0;
	s20 =	sshll.u32 s6, $0x1;
	s6 =	sadd.s32 s21, s4  }
0x9e: {  	[timem:s8], [sflag:s22] =	dma.local [hbm:s6], s20  }
0x9f: {  	_ =	swait.ge [sflag:s22], s20  }
0xa0: {  	s5 =	ssub.s32 $0x0, s20;
	[sflag:s22] =	ssyncset.done $0x0  }
0xa1: {  	[sflag:s22] =	ssyncadd.s32 s5;
	_ =	sdelay $0x1  }
0xa2: {  	s23 =	simm.s32 $0x1B8B  }
0xa3: {  	_ =	swait.ge [sflag:s23], $0x1  }
0xa4: {  	[sflag:s23] =	ssyncset.done $0x0  }
0xa5: {  	s25 =	simm.s32 $0x1B8E;
	s24 =	sld [smem:$0x3FFE];
	[sflag:s23] =	ssyncadd.s32 $0xFFFFFFFF  }
0xa6: {  	s26 =	simm.s32 $execute0_lowered;
	[smem:$0x3FD2] =	sst s25  }
0xa7: {  	s6 =	sshll.u32 s26, $0x1;
	_ =	strace $0x80000046;
	[dreg:$0x1] =	wrdreg $0xFFFFFFFF  }
0xa8: {  	s28 =	simm.s32 $_size_execute0_lowered;
	s4 =	sadd.s32 s4, s6;
	[dreg:$0x0] =	wrdreg $0x0  }
0xa9: {  	s6 =	sshll.u32 s28, $0x1;
	[dreg:$0x2] =	wrdreg s4  }
0xaa: {  	[dreg:$0x3] =	wrdreg s6  }
0xab: {  	[dreg:$0x4] =	wrdreg $0xC0  }
0xac: {  	_ =	task [dreg:s8], $0x5FFFF  }
0xad: {  	[dreg:$0x1] =	wrdreg $0xFFFFFFFF  }
0xae: {  	[dreg:$0x0] =	wrdreg $0x60  }
0xaf: {  	[dreg:$0x2] =	wrdreg s2  }
0xb0: {  	[dreg:$0x3] =	wrdreg s24  }
0xb1: {  	[dreg:$0x4] =	wrdreg s18  }
0xb2: {  	[dreg:$0x5] =	wrdreg $0x9  }
0xb3: {  	_ =	task.clear_ibuf [dreg:s8], $0x6FFFF;
	_ =	strace $0x90000046  }
0xb4: {  	s29 =	simm.s32 $0x9;
	_ =	strace $0x80000048  }
0xb5: {  	_ =	swait.ge [sflag:s29], $0x1  }
0xb6: {  	[sflag:s29] =	ssyncadd.s32 $0xFFFFFFFF  }
0xb7: {  	_ =	strace $0x90000048  }
0xb8: {  	_ =	sfence  }
0xb9: {  	s30 =	sld [smem:$0x0];
	_ =	sdelay $0x2  }
0xba: {  	s31 =	sshll.u32 s1, $0xD;
	s1 =	sshrl.u32 s1, $0x2  }
0xbb: {  	s3 =	sand.u32 $0x4000, s31;
	s1 =	sadd.s32 s1, s30  }
0xbc: {  	s0 =	sor.u32 s3, s0;
	s1 =	sshll.u32 s1, $0x11  }
0xbd: {  	s0 =	sor.u32 s1, s0  }
0xbe: {  	s0 =	sadd.s32 $0x8F2B, s0  }
0xbf: {  	[sflag:s0] =	ssyncadd.remote.s32 $0x1  }
0xc0: {  	_ =	sfence.sel $0xFFFF  }
0xc1: {  	[dreg:$0x0] =	wrdreg $0xFFFFFFFF;
	(pc) =	sbr.abs _section_cstart, $3  }
0xc2: {  	[dreg:$0x1] =	wrdreg $0xFFFFFFFF  }
0xc3: {  	_ =	task.clear_ibuf [dreg:s8], $0x2FFFF;
	_ =	strace $0x9FFFFFFF  }
0xc4: {  	(tm) =	ssettm $0x7FFFFFFF  }
0xc5: {  	_ =	shalt  }
tec
execute0_lowered:
.L_overlay_start_1:
0x0: {  	(tag) =	ssettag $0x1  }
0x1: {  	s1 =	rddreg [dreg:$0x0]  }
0x2: {  	s0 =	rddreg [dreg:$0x1]  }
0x3: {  	s2 =	srdreg.scid;
	s9 =	stileid.u32  }
0x4: {  	s3 =	rddreg [dreg:$0x2];
	s28 =	simm.s32 $0x11C00;
	s29 =	simm.s32 $0x2  }
0x5: {  	s30 =	simm.s32 $0x6;
	s2 =	sand.u32 $0x1, s2;
	s4 =	sshll.u32 s9, $0x1  }
0x6: {  	s31 =	simm.s32 $0x3;
	s15 =	sshll.u32 s9, $0xF;
	s5 =	sor.u32 s2, s4  }
0x7: {  	s4 =	simm.s32 $0x0;
	s7 =	ssub.s32 $0x2, s2;
	s2 =	sshll.u32 s2, $0xE  }
0x8: {  	s6 =	smul.u32 $0x380, s5;
	[smem:$0x7FF] =	sst s4;
	s8 =	sshrl.u32 s7, $0x1  }
0x9: {  	s5 =	sshll.u32 s5, $0xB;
	s16 =	sor.u32 s2, s15;
	_ =	strace $0x80000047  }
0xa: {  	s14 =	ssub.s32 s7, s8;
	s5 =	sadd.s32 s3, s5;
	s19 =	sor.u32 $0x200000, s16  }
0xb: {  	s22 =	sor.u32 $0x180000, s16;
	s23 =	sor.u32 $0x100000, s16;
	s24 =	sor.u32 $0x300000, s16  }
0xc: {  	s16 =	sor.u32 $0x280000, s16;
	s7 =	simm.s32 $0x0;
	s0 =	sadd.s32 s6, s0  }
0xd: {  	s17 =	sadd.s32 $0x10000, s5;
	s18 =	sadd.s32 $0x2F0000, s5;
	[dreg:$0x5] =	wrdreg s5  }
0xe: {  	s20 =	sadd.s32 $0x300000, s5;
	s5 =	sadd.s32 $0x310000, s5;
	[dreg:$0x6] =	wrdreg s17  }
0xf: {  	s2 =	sshrl.u32 s19, $0x3;
	s21 =	smax.u32 s14, $0x1;
	[dreg:$0x7] =	wrdreg s18  }
0x10: {  	s25 =	sshrl.u32 s23, $0x3;
	s26 =	sshrl.u32 s24, $0x3;
	[dreg:$0x8] =	wrdreg s20  }
0x11: {  	s19 =	simm.s32 $0x1C00;
	s24 =	simm.s32 $0xDC00;
	[dreg:$0x9] =	wrdreg s5  }
0x12: {  	s23 =	simm.s32 $0x5;
	s0 =	sadd.s32 $0x400, s0;
	[dreg:$0xa] =	wrdreg s21  }
0x13: {  	s2 =	sadd.s32 s2, s3;
	s12 =	sadd.s32 s26, s3;
	s18 =	simm.s32 $0x80  }
0x14: {  	s20 =	simm.s32 $0x5C00;
	s21 =	simm.s32 $0x8;
	s26 =	simm.s32 $0x9  }
0x15: {  	s5 =	simm.s32 $0xA;
	[dreg:$0xb] =	wrdreg s2;
	s2 =	sshrl.u32 s22, $0x3  }
0x16: {  	[dreg:$0x4] =	wrdreg s0;
	s22 =	simm.s32 $0x9C00;
	s2 =	sadd.s32 s2, s3  }
0x17: {  	s0 =	simm.s32 $0x4;
	[dreg:$0xc] =	wrdreg s2;
	s2 =	sadd.s32 s25, s3  }
0x18: {  	s25 =	simm.s32 $0x1;
	[dreg:$0xd] =	wrdreg s2;
	s2 =	simm.s32 $0x7  }
.LBB2_1:
0x19: {  	s6 =	rddreg [dreg:$0x4];
	s9 =	simm.s32 $0xB  }
0x1a: {  	[tilespmem:s4], [sflag:$0xB] =	stream.linear.gather [hbm4b:s6+s4], $0x1900, $0x38;
	[tilespmem:$0x15C00] =	vst v63  }
0x1b: {  	_ =	swait.ge [sflag:s9], $0x1900  }
0x1c: {  	[sflag:s9] =	ssyncset.done $0x0  }
0x1d: {  	[sflag:s9] =	ssyncadd.s32 $0xFFFFE700  }
0x1e: {  	[tilespmem:s19], [sflag:$0x1] =	stream.indirect.gather [hbm4b:s1+s18], $0x80, s4, s18, $0xb8;
	[tilespmem:$0x15C00] =	vst v63  }
0x1f: {  	_ = 	snop  }
0x20: {  	[tilespmem:s20], [sflag:$0x2] =	stream.indirect.gather [hbm4b:s1+s18], $0x80, s18, s18, $0xb8;
	[tilespmem:$0x15C00] =	vst v63  }
0x21: {  	s10 =	simm.s32 $0x100  }
0x22: {  	[tilespmem:s22], [sflag:$0x3] =	stream.indirect.gather [hbm4b:s1+s18], $0x80, s10, s18, $0xb8;
	[tilespmem:$0x15C00] =	vst v63  }
0x23: {  	s11 =	simm.s32 $0x180  }
0x24: {  	[tilespmem:s24], [sflag:$0x4] =	stream.indirect.gather [hbm4b:s1+s18], $0x80, s11, s18, $0xb8;
	[tilespmem:$0x15C00] =	vst v63  }
0x25: {  	_ =	swait.ge [sflag:s25], $0x4000  }
0x26: {  	[sflag:s25] =	ssyncset.done $0x0  }
0x27: {  	s13 =	rddreg [dreg:$0x5];
	[sflag:s25] =	ssyncadd.s32 $0xFFFFC000  }
0x28: {  	[hbm4b:s13+s4] =	stream.linear.scatter [tilespmem:s19], [sflag:$0x6], $0x4000, $0x38;
	[tilespmem:$0x15C00] =	vst v63  }
0x29: {  	s14 =	simm.s32 $0x200  }
0x2a: {  	[tilespmem:s28], [sflag:$0x5] =	stream.indirect.gather [hbm4b:s1+s18], $0x80, s14, s18, $0xb8;
	[tilespmem:$0x15C00] =	vst v63  }
0x2b: {  	_ =	swait.ge [sflag:s29], $0x4000  }
0x2c: {  	[sflag:s29] =	ssyncset.done $0x0  }
0x2d: {  	s15 =	rddreg [dreg:$0x6];
	[sflag:s29] =	ssyncadd.s32 $0xFFFFC000  }
0x2e: {  	[hbm4b:s15+s4] =	stream.linear.scatter [tilespmem:s20], [sflag:$0x7], $0x4000, $0x38;
	[tilespmem:$0x15C00] =	vst v63  }
0x2f: {  	_ =	swait.ge [sflag:s30], $0x4000  }
0x30: {  	[sflag:s30] =	ssyncset.done $0x0  }
0x31: {  	s17 =	simm.s32 $0x280;
	[sflag:s30] =	ssyncadd.s32 $0xFFFFC000  }
0x32: {  	[tilespmem:s19], [sflag:$0x1] =	stream.indirect.gather [hbm4b:s1+s18], $0x80, s17, s18, $0xb8;
	[tilespmem:$0x15C00] =	vst v63  }
0x33: {  	_ =	swait.ge [sflag:s31], $0x4000  }
0x34: {  	[sflag:s31] =	ssyncset.done $0x0  }
0x35: {  	s10 =	rddreg [dreg:$0xd];
	[sflag:s31] =	ssyncadd.s32 $0xFFFFC000  }
0x36: {  	[hbm4b:s10+s4] =	stream.linear.scatter [tilespmem:s22], [sflag:$0x8], $0x4000, $0x38;
	[tilespmem:$0x15C00] =	vst v63  }
0x37: {  	_ =	swait.ge [sflag:s2], $0x4000  }
0x38: {  	[sflag:s2] =	ssyncset.done $0x0  }
0x39: {  	s8 =	simm.s32 $0x300;
	[sflag:s2] =	ssyncadd.s32 $0xFFFFC000  }
0x3a: {  	[tilespmem:s20], [sflag:$0x2] =	stream.indirect.gather [hbm4b:s1+s18], $0x80, s8, s18, $0xb8;
	[tilespmem:$0x15C00] =	vst v63  }
0x3b: {  	_ =	swait.ge [sflag:s0], $0x4000  }
0x3c: {  	[sflag:s0] =	ssyncset.done $0x0  }
0x3d: {  	s14 =	rddreg [dreg:$0xc];
	[sflag:s0] =	ssyncadd.s32 $0xFFFFC000  }
0x3e: {  	[hbm4b:s14+s4] =	stream.linear.scatter [tilespmem:s24], [sflag:$0x9], $0x4000, $0x38;
	[tilespmem:$0x15C00] =	vst v63  }
0x3f: {  	_ =	swait.ge [sflag:s21], $0x4000  }
0x40: {  	[sflag:s21] =	ssyncset.done $0x0  }
0x41: {  	s9 =	simm.s32 $0x380;
	[sflag:s21] =	ssyncadd.s32 $0xFFFFC000  }
0x42: {  	[tilespmem:s22], [sflag:$0x3] =	stream.indirect.gather [hbm4b:s1+s18], $0x80, s9, s18, $0xb8;
	[tilespmem:$0x15C00] =	vst v63  }
0x43: {  	_ =	swait.ge [sflag:s23], $0x4000  }
0x44: {  	[sflag:s23] =	ssyncset.done $0x0  }
0x45: {  	s13 =	rddreg [dreg:$0xb];
	[sflag:s23] =	ssyncadd.s32 $0xFFFFC000  }
0x46: {  	[hbm4b:s13+s4] =	stream.linear.scatter [tilespmem:s28], [sflag:$0xA], $0x4000, $0x38;
	[tilespmem:$0x15C00] =	vst v63  }
0x47: {  	_ =	swait.ge [sflag:s26], $0x4000  }
0x48: {  	[sflag:s26] =	ssyncset.done $0x0  }
0x49: {  	s11 =	simm.s32 $0x400;
	[sflag:s26] =	ssyncadd.s32 $0xFFFFC000  }
0x4a: {  	[tilespmem:s24], [sflag:$0x4] =	stream.indirect.gather [hbm4b:s1+s18], $0x80, s11, s18, $0xb8;
	[tilespmem:$0x15C00] =	vst v63  }
0x4b: {  	_ =	swait.ge [sflag:s25], $0x4000  }
0x4c: {  	s15 =	sshrl.u32 s16, $0x3;
	[sflag:s25] =	ssyncset.done $0x0  }
0x4d: {  	s6 =	sadd.s32 s3, s15;
	[sflag:s25] =	ssyncadd.s32 $0xFFFFC000  }
0x4e: {  	[hbm4b:s6+s4] =	stream.linear.scatter [tilespmem:s19], [sflag:$0x6], $0x4000, $0x38;
	[tilespmem:$0x15C00] =	vst v63  }
0x4f: {  	_ =	swait.ge [sflag:s5], $0x4000  }
0x50: {  	[sflag:s5] =	ssyncset.done $0x0  }
0x51: {  	s15 =	smov.u32 s12;
	s17 =	simm.s32 $0x480;
	[sflag:s5] =	ssyncadd.s32 $0xFFFFC000  }
0x52: {  	[tilespmem:s28], [sflag:$0x5] =	stream.indirect.gather [hbm4b:s1+s18], $0x80, s17, s18, $0xb8;
	[tilespmem:$0x15C00] =	vst v63  }
0x53: {  	s10 =	sadd.s32 $0x50000, s10;
	s8 =	simm.s32 $0xA00;
	_ =	swait.ge [sflag:s29], $0x4000  }
0x54: {  	s9 =	sadd.s32 $0x280000, s16;
	s11 =	sadd.s32 $0x50000, s12;
	[sflag:s29] =	ssyncset.done $0x0  }
0x55: {  	s6 =	sadd.s32 $0x50000, s13;
	s17 =	sadd.s32 $0x50000, s14;
	[sflag:s29] =	ssyncadd.s32 $0xFFFFC000  }
.LBB2_2:
0x56: {  	[hbm4b:s15+s4] =	stream.linear.scatter [tilespmem:s20], [sflag:$0x7], $0x4000, $0x38;
	[tilespmem:$0x15C00] =	vst v63  }
0x57: {  	s13 =	smov.u32 s8;
	s15 =	smov.u32 s11  }
0x58: {  	p0 =	sne.s32 s8, $0x5000;
	s8 =	sadd.s32 $0xA00, s8;
	_ =	swait.ge [sflag:s30], $0x4000  }
0x59: {  	s13 =	sshra.s32 s13, $0x2;
	[sflag:s30] =	ssyncset.done $0x0  }
0x5a: {  	s14 =	sadd.s32 $0x280, s13;
	[sflag:s30] =	ssyncadd.s32 $0xFFFFC000  }
0x5b: {  	[tilespmem:s19], [sflag:$0x1] =	stream.indirect.gather [hbm4b:s1+s18], $0x80, s14, s18, $0xb8;
	[tilespmem:$0x15C00] =	vst v63  }
0x5c: {  	_ =	swait.ge [sflag:s31], $0x4000  }
0x5d: {  	[sflag:s31] =	ssyncset.done $0x0  }
0x5e: {  	[sflag:s31] =	ssyncadd.s32 $0xFFFFC000  }
0x5f: {  	[hbm4b:s10+s4] =	stream.linear.scatter [tilespmem:s22], [sflag:$0x8], $0x4000, $0x38;
	[tilespmem:$0x15C00] =	vst v63  }
0x60: {  	_ =	swait.ge [sflag:s2], $0x4000  }
0x61: {  	[sflag:s2] =	ssyncset.done $0x0  }
0x62: {  	s14 =	sadd.s32 $0x300, s13;
	[sflag:s2] =	ssyncadd.s32 $0xFFFFC000  }
0x63: {  	[tilespmem:s20], [sflag:$0x2] =	stream.indirect.gather [hbm4b:s1+s18], $0x80, s14, s18, $0xb8;
	[tilespmem:$0x15C00] =	vst v63  }
0x64: {  	_ =	swait.ge [sflag:s0], $0x4000  }
0x65: {  	[sflag:s0] =	ssyncset.done $0x0  }
0x66: {  	[sflag:s0] =	ssyncadd.s32 $0xFFFFC000  }
0x67: {  	[hbm4b:s17+s4] =	stream.linear.scatter [tilespmem:s24], [sflag:$0x9], $0x4000, $0x38;
	[tilespmem:$0x15C00] =	vst v63  }
0x68: {  	_ =	swait.ge [sflag:s21], $0x4000  }
0x69: {  	[sflag:s21] =	ssyncset.done $0x0  }
0x6a: {  	s14 =	sadd.s32 $0x380, s13;
	[sflag:s21] =	ssyncadd.s32 $0xFFFFC000  }
0x6b: {  	[tilespmem:s22], [sflag:$0x3] =	stream.indirect.gather [hbm4b:s1+s18], $0x80, s14, s18, $0xb8;
	[tilespmem:$0x15C00] =	vst v63  }
0x6c: {  	_ =	swait.ge [sflag:s23], $0x4000  }
0x6d: {  	[sflag:s23] =	ssyncset.done $0x0  }
0x6e: {  	[sflag:s23] =	ssyncadd.s32 $0xFFFFC000  }
0x6f: {  	[hbm4b:s6+s4] =	stream.linear.scatter [tilespmem:s28], [sflag:$0xA], $0x4000, $0x38;
	[tilespmem:$0x15C00] =	vst v63  }
0x70: {  	_ =	swait.ge [sflag:s26], $0x4000  }
0x71: {  	[sflag:s26] =	ssyncset.done $0x0  }
0x72: {  	s14 =	sadd.s32 $0x400, s13;
	[sflag:s26] =	ssyncadd.s32 $0xFFFFC000  }
0x73: {  	[tilespmem:s24], [sflag:$0x4] =	stream.indirect.gather [hbm4b:s1+s18], $0x80, s14, s18, $0xb8;
	[tilespmem:$0x15C00] =	vst v63  }
0x74: {  	_ =	swait.ge [sflag:s25], $0x4000  }
0x75: {  	s14 =	sshrl.u32 s9, $0x3;
	[sflag:s25] =	ssyncset.done $0x0  }
0x76: {  	s14 =	sadd.s32 s3, s14;
	[sflag:s25] =	ssyncadd.s32 $0xFFFFC000  }
0x77: {  	[hbm4b:s14+s4] =	stream.linear.scatter [tilespmem:s19], [sflag:$0x6], $0x4000, $0x38;
	[tilespmem:$0x15C00] =	vst v63  }
0x78: {  	_ =	swait.ge [sflag:s5], $0x4000  }
0x79: {  	[sflag:s5] =	ssyncset.done $0x0  }
.Ltmp0:
0x7a: {  	s13 =	sadd.s32 $0x480, s13;
	[sflag:s5] =	ssyncadd.s32 $0xFFFFC000;
	(pc) =	sbr.rel @p0 .LBB2_2-.Ltmp0, $4  }
0x7b: {  	[tilespmem:s28], [sflag:$0x5] =	stream.indirect.gather [hbm4b:s1+s18], $0x80, s13, s18, $0xb8;
	[tilespmem:$0x15C00] =	vst v63  }
0x7c: {  	s9 =	sadd.s32 $0x280000, s9;
	_ =	swait.ge [sflag:s29], $0x4000  }
0x7d: {  	s11 =	sadd.s32 $0x50000, s11;
	s10 =	sadd.s32 $0x50000, s10;
	[sflag:s29] =	ssyncset.done $0x0  }
0x7e: {  	s17 =	sadd.s32 $0x50000, s17;
	s6 =	sadd.s32 $0x50000, s6;
	[sflag:s29] =	ssyncadd.s32 $0xFFFFC000  }
0x7f: {  	[hbm4b:s15+s4] =	stream.linear.scatter [tilespmem:s20], [sflag:$0x7], $0x4000, $0x38;
	[tilespmem:$0x15C00] =	vst v63  }
0x80: {  	_ =	swait.ge [sflag:s31], $0x4000  }
0x81: {  	[sflag:s31] =	ssyncset.done $0x0  }
0x82: {  	s6 =	rddreg [dreg:$0x7];
	[sflag:s31] =	ssyncadd.s32 $0xFFFFC000  }
0x83: {  	[hbm4b:s6+s4] =	stream.linear.scatter [tilespmem:s22], [sflag:$0x8], $0x4000, $0x38;
	[tilespmem:$0x15C00] =	vst v63  }
0x84: {  	_ =	swait.ge [sflag:s0], $0x4000  }
0x85: {  	[sflag:s0] =	ssyncset.done $0x0  }
0x86: {  	s14 =	rddreg [dreg:$0x8];
	[sflag:s0] =	ssyncadd.s32 $0xFFFFC000  }
0x87: {  	[hbm4b:s14+s4] =	stream.linear.scatter [tilespmem:s24], [sflag:$0x9], $0x4000, $0x38;
	[tilespmem:$0x15C00] =	vst v63  }
0x88: {  	_ =	swait.ge [sflag:s23], $0x4000  }
0x89: {  	[sflag:s23] =	ssyncset.done $0x0  }
0x8a: {  	s15 =	rddreg [dreg:$0x9];
	[sflag:s23] =	ssyncadd.s32 $0xFFFFC000  }
0x8b: {  	[hbm4b:s15+s4] =	stream.linear.scatter [tilespmem:s28], [sflag:$0xA], $0x4000, $0x38;
	[tilespmem:$0x15C00] =	vst v63  }
0x8c: {  	_ =	swait.ge [sflag:s30], $0x4000  }
0x8d: {  	[sflag:s30] =	ssyncset.done $0x0  }
0x8e: {  	[sflag:s30] =	ssyncadd.s32 $0xFFFFC000  }
0x8f: {  	_ =	swait.ge [sflag:s2], $0x4000  }
0x90: {  	[sflag:s2] =	ssyncset.done $0x0  }
0x91: {  	[sflag:s2] =	ssyncadd.s32 $0xFFFFC000  }
0x92: {  	_ =	swait.ge [sflag:s21], $0x4000  }
0x93: {  	[sflag:s21] =	ssyncset.done $0x0  }
0x94: {  	[sflag:s21] =	ssyncadd.s32 $0xFFFFC000  }
0x95: {  	_ =	swait.ge [sflag:s26], $0x4000  }
0x96: {  	[sflag:s26] =	ssyncset.done $0x0  }
0x97: {  	[sflag:s26] =	ssyncadd.s32 $0xFFFFC000  }
0x98: {  	_ =	swait.ge [sflag:s5], $0x4000  }
0x99: {  	s7 =	sadd.s32 $0x1, s7;
	s17 =	rddreg [dreg:$0xa]  }
0x9a: {  	p0 =	sne.s32 s7, s17  }
.Ltmp1:
0x9b: {  	_ = 	snop;
	(pc) =	sbr.rel @p0 .LBB2_1-.Ltmp1, $3  }
0x9c: {  	_ =	sdelay $0x1  }
0x9d: {  	[sflag:s5] =	ssyncset.done $0x0  }
0x9e: {  	[sflag:s5] =	ssyncadd.s32 $0xFFFFC000  }
0x9f: {  	_ =	sfence.sel $0x180000  }
0xa0: {  	[bflag:$0x0] =	sbarrier.arrive $0xFFFF  }
0xa1: {  	_ =	strace $0x90000047  }
0xa2: {  	s0 =	stileid.u32;
	[bflag:$0x2] =	sbarrier.arrive $0xFFFF  }
0xa3: {  	p0 =	sne.s32 s0, $0x0;
	s0 =	rddreg [dreg:$0x3]  }
0xa4: {  	s0 =	sadd.s32 @!p0 $0x100000, s0  }
0xa5: {  	[sflag:s0] =	ssyncadd.tile.s32 @!p0 $0x1;
	_ =	shalt  }
.Lfunc_end2:
_tile_overlayer_lowered:
.L_overlay_start_2:
0xa6: {  	(tag) =	ssettag $0x2  }
0xa7: {  	s0 =	rddreg [dreg:$0x0];
	s2 =	stileid.u32  }
0xa8: {  	s1 =	rddreg [dreg:$0x1];
	p0 =	sne.s32 s2, $0x0  }
0xa9: {  	s3 =	rddreg [dreg:$0x2];
	[bflag:$0x3] =	sbarrier.arrive $0xFFFF;
	s2 =	simm.s32 @!p0 $0x1C0B  }
0xaa: {  	[timem:s3], [sflag:s2] =	dma.local @!p0 [hbm:s0], s1  }
0xab: {  	s0 =	simm.s32 @!p0 $0xB  }
0xac: {  	_ =	swait.ge @!p0 [sflag:s0], s1  }
0xad: {  	s1 =	ssub.s32 @!p0 $0x0, s1;
	[sflag:s0] =	ssyncset.done @!p0 $0x0  }
0xae: {  	[sflag:s0] =	ssyncadd.s32 @!p0 s1  }
0xaf: {  	[bflag:$0x3] =	sbarrier.arrive $0xFFFF  }
0xb0: {  	_ =	shalt  }

</sc_bundles>
